<compile_context>
chip_gen: v7x
topology: tpu7x:2x2x1
jax: 0.10.2.dev20260603
libtpu: 0.0.44.dev20260713+nightly
codegen_flags: <defaults>
</compile_context>

<pallas_src>
import functools

import jax
import jax.numpy as jnp
from jax import lax
from jax.experimental import pallas as pl
from jax.experimental.pallas import tpu as pltpu
from jax.experimental.pallas import tpu_sc as plsc

NPTS = 10000
NPAD = 10240
NROW = NPAD // 128
DF = 128
NSEL = 2500
NSELP = 2560
R_LIST = (0.2, 0.4)
K_LIST = (32, 64)


def _fps_body(px_ref, py_ref, pz_ref, bf_ref, out_ref):
    rows = lax.broadcasted_iota(jnp.int32, (NROW, 128), 0)
    cols = lax.broadcasted_iota(jnp.int32, (NROW, 128), 1)
    fidx = (rows * 128 + cols).astype(jnp.float32)
    lane = lax.broadcasted_iota(jnp.int32, (1, 128), 1)

    mind0 = jnp.where(fidx < float(NPTS), jnp.inf, -1.0)
    out_ref[...] = jnp.zeros((NSELP, 128), jnp.float32)

    def rmax(v):
        return jnp.max(jnp.max(v, axis=0, keepdims=True), axis=1, keepdims=True)

    def rmin(v):
        return jnp.min(jnp.min(v, axis=0, keepdims=True), axis=1, keepdims=True)

    def write_row(i, vx, vy, vz, vb):
        row = jnp.where(lane == 0, vx,
              jnp.where(lane == 1, vy,
              jnp.where(lane == 2, vz,
              jnp.where(lane == 3, vb, 0.0))))
        out_ref[pl.ds(i, 1), :] = row

    lx0 = px_ref[0:1, 0:1]
    ly0 = py_ref[0:1, 0:1]
    lz0 = pz_ref[0:1, 0:1]
    write_row(0, lx0, ly0, lz0, bf_ref[0:1, 0:1])

    def body(i, carry):
        mind, lx, ly, lz = carry
        px = px_ref[...]
        py = py_ref[...]
        pz = pz_ref[...]
        dx = px - lx
        dy = py - ly
        dz = pz - lz
        d = dx * dx + dy * dy + dz * dz
        mind = jnp.minimum(mind, d)
        m = rmax(mind)
        sel = rmin(jnp.where(mind == m, fidx, 1e9))
        hit = fidx == sel
        nlx = rmax(jnp.where(hit, px, -1e9))
        nly = rmax(jnp.where(hit, py, -1e9))
        nlz = rmax(jnp.where(hit, pz, -1e9))
        nbv = rmax(jnp.where(hit, bf_ref[...], -1e9))
        write_row(i, nlx, nly, nlz, nbv)
        return (mind, nlx, nly, nlz)

    lax.fori_loop(1, NSEL, body, (mind0, lx0, ly0, lz0))


def _run_fps(px, py, pz, bf):
    return pl.pallas_call(
        _fps_body,
        out_shape=jax.ShapeDtypeStruct((NSELP, 128), jnp.float32),
    )(px, py, pz, bf)


def _feats_body(xe_ref, w_ref, b_ref, a0_ref, a1_ref):
    y = jnp.dot(xe_ref[...], w_ref[...], preferred_element_type=jnp.float32)
    y = y + b_ref[0:1, :]
    a0_ref[...] = y[:, :DF]
    a1_ref[...] = y[:, DF:]


def _run_feats(xe, w, b):
    blk = 1024
    return pl.pallas_call(
        _feats_body,
        grid=(NPAD // blk,),
        in_specs=[
            pl.BlockSpec((blk, 256), lambda i: (i, 0)),
            pl.BlockSpec((256, 256), lambda i: (0, 0)),
            pl.BlockSpec((8, 256), lambda i: (0, 0)),
        ],
        out_specs=[
            pl.BlockSpec((blk, DF), lambda i: (i, 0)),
            pl.BlockSpec((blk, DF), lambda i: (i, 0)),
        ],
        out_shape=[
            jax.ShapeDtypeStruct((NPAD, DF), jnp.float32),
            jax.ShapeDtypeStruct((NPAD, DF), jnp.float32),
        ],
    )(xe, w, b)


def _topk_body(pos_ref, p_ref, topi_ref, cnt_ref, d2m_ref, *, r2, k):
    bc = p_ref.shape[0]
    cx = p_ref[:, 0:1]
    cy = p_ref[:, 1:2]
    cz = p_ref[:, 2:3]
    px = pos_ref[0:1, :]
    py = pos_ref[1:2, :]
    pz = pos_ref[2:3, :]
    dx = px - cx
    dy = py - cy
    dz = pz - cz
    d2 = dx * dx + dy * dy + dz * dz
    col = lax.broadcasted_iota(jnp.int32, (bc, NPAD), 1).astype(jnp.float32)
    d2m = jnp.where((d2 <= r2) & (col < float(NPTS)), d2, jnp.inf)
    d2m_ref[...] = d2m

    klane = lax.broadcasted_iota(jnp.int32, (bc, k), 1)

    def body(kk, carry):
        topi, cnt, lastv, lasti = carry
        v = d2m_ref[...]
        elig = (v > lastv) | ((v == lastv) & (col > lasti))
        ve = jnp.where(elig, v, jnp.inf)
        m = jnp.min(ve, axis=1, keepdims=True)
        ok = m <= r2
        idxf = jnp.min(jnp.where(ve == m, col, 1e9), axis=1, keepdims=True)
        idxf = jnp.where(ok, idxf, 0.0)
        topi = topi + jnp.where(klane == kk, idxf, 0.0)
        cnt = cnt + jnp.where(ok, 1.0, 0.0)
        lastv = jnp.where(ok, m, lastv)
        lasti = jnp.where(ok, idxf, lasti)
        return (topi, cnt, lastv, lasti)

    z = jnp.zeros((bc, k), jnp.float32)
    z1 = jnp.zeros((bc, 1), jnp.float32)
    topi, cnt, _, _ = lax.fori_loop(0, k, body, (z, z1, z1 - 1.0, z1 - 1.0))
    topi_ref[...] = topi.astype(jnp.int32)
    cnt_ref[...] = jnp.broadcast_to(cnt, (bc, 128))


def _run_topk(pos_pl, p, r, k):
    bc = 128
    body = functools.partial(_topk_body, r2=r * r, k=k)
    return pl.pallas_call(
        body,
        grid=(NSELP // bc,),
        in_specs=[
            pl.BlockSpec((8, NPAD), lambda i: (0, 0)),
            pl.BlockSpec((bc, 128), lambda i: (i, 0)),
        ],
        out_specs=[
            pl.BlockSpec((bc, k), lambda i: (i, 0)),
            pl.BlockSpec((bc, 128), lambda i: (i, 0)),
        ],
        out_shape=[
            jax.ShapeDtypeStruct((NSELP, k), jnp.int32),
            jax.ShapeDtypeStruct((NSELP, 128), jnp.float32),
        ],
        scratch_shapes=[pltpu.VMEM((bc, NPAD), jnp.float32)],
    )(pos_pl, p)


def _sc_gather(a, idx, nedges):
    info = plsc.get_sparse_core_info()
    nw = info.num_cores * info.num_subcores
    b_per_w = nedges // nw
    chunk = 128
    n_chunks = b_per_w // chunk

    @functools.partial(
        pl.kernel,
        out_type=jax.ShapeDtypeStruct((nedges, DF), jnp.float32),
        mesh=plsc.VectorSubcoreMesh(core_axis_name="c", subcore_axis_name="s"),
        scratch_types=[
            pltpu.VMEM((chunk,), jnp.int32),
            pltpu.VMEM((chunk, DF), jnp.float32),
            pltpu.SemaphoreType.DMA,
        ],
    )
    def gk(a_hbm, idx_hbm, out_hbm, idx_v, rows_v, sem):
        wid = lax.axis_index("s") * info.num_cores + lax.axis_index("c")
        base = wid * b_per_w

        def body(i, _):
            off = base + i * chunk
            pltpu.sync_copy(idx_hbm.at[pl.ds(off, chunk)], idx_v)
            pltpu.async_copy(a_hbm.at[idx_v], rows_v, sem).wait()
            pltpu.sync_copy(rows_v, out_hbm.at[pl.ds(off, chunk)])
            return 0

        lax.fori_loop(0, n_chunks, body, 0)

    return gk(a, idx)


def _conv_body(g_ref, cnt_ref, p_ref, wp_ref, w2_ref, b2_ref, out_ref, *, k):
    bc = out_ref.shape[0]
    cx = p_ref[:, 0:1]
    cy = p_ref[:, 1:2]
    cz = p_ref[:, 2:3]
    c = cx * wp_ref[0:1, :] + cy * wp_ref[1:2, :] + cz * wp_ref[2:3, :]
    c3 = lax.broadcast_in_dim(c, (bc, k, DF), (0, 2))
    g = g_ref[...].reshape(bc, k, DF)
    h1 = jnp.maximum(g - c3, 0.0).reshape(bc * k, DF)
    h2 = jnp.dot(h1, w2_ref[...], preferred_element_type=jnp.float32)
    h2 = jnp.maximum(h2 + b2_ref[0:1, :], 0.0).reshape(bc, k, DF)
    kio = lax.broadcasted_iota(jnp.int32, (bc, k, DF), 1).astype(jnp.float32)
    cnt3 = lax.broadcast_in_dim(cnt_ref[:, 0:1], (bc, k, DF), (0, 2))
    h2 = jnp.where(kio < cnt3, h2, 0.0)
    out_ref[...] = jnp.max(h2, axis=1)


def _run_conv(g, val, p, wp, w2, b2, k):
    bc = 1024 // k
    body = functools.partial(_conv_body, k=k)
    return pl.pallas_call(
        body,
        grid=(NSELP // bc,),
        in_specs=[
            pl.BlockSpec((bc * k, DF), lambda i: (i, 0)),
            pl.BlockSpec((bc, 128), lambda i: (i, 0)),
            pl.BlockSpec((bc, 128), lambda i: (i, 0)),
            pl.BlockSpec((8, DF), lambda i: (0, 0)),
            pl.BlockSpec((DF, DF), lambda i: (0, 0)),
            pl.BlockSpec((8, DF), lambda i: (0, 0)),
        ],
        out_specs=pl.BlockSpec((bc, DF), lambda i: (i, 0)),
        out_shape=jax.ShapeDtypeStruct((NSELP, DF), jnp.float32),
    )(g, val, p, wp, w2, b2)


def kernel(x, pos, batch, W0_0, b0_0, W0_1, b0_1, W1_0, b1_0, W1_1, b1_1):
    f32 = jnp.float32
    pos_pad = jnp.pad(pos, ((0, NPAD - NPTS), (0, 0)), constant_values=2.0)
    pos_pl = pos_pad.T
    pos_pl8 = jnp.pad(pos_pl, ((0, 5), (0, 0)))
    px = pos_pl[0].reshape(NROW, 128)
    py = pos_pl[1].reshape(NROW, 128)
    pz = pos_pl[2].reshape(NROW, 128)
    bf = jnp.pad(batch.astype(f32), (0, NPAD - NPTS)).reshape(NROW, 128)

    p = _run_fps(px, py, pz, bf)

    xe = jnp.concatenate([x, pos], axis=1)
    xe = jnp.pad(xe, ((0, NPAD - NPTS), (0, 256 - 131)))
    w = jnp.zeros((256, 256), f32)
    w = w.at[:DF, :DF].set(W0_0[:DF])
    w = w.at[DF:131, :DF].set(W0_0[DF:])
    w = w.at[:DF, DF:].set(W1_0[:DF])
    w = w.at[DF:131, DF:].set(W1_0[DF:])
    b = jnp.zeros((8, 256), f32)
    b = b.at[0, :DF].set(b0_0)
    b = b.at[0, DF:].set(b1_0)
    a0, a1 = _run_feats(xe, w, b)

    outs = []
    for r, k, a, wfull, w2, b2 in (
        (R_LIST[0], K_LIST[0], a0, W0_0, W0_1, b0_1),
        (R_LIST[1], K_LIST[1], a1, W1_0, W1_1, b1_1),
    ):
        topi, cnt = _run_topk(pos_pl8, p, r, k)
        g = _sc_gather(a, topi.reshape(-1), NSELP * k)
        wp = jnp.pad(wfull[DF:], ((0, 5), (0, 0)))
        b2p = jnp.zeros((8, DF), f32).at[0].set(b2)
        outs.append(_run_conv(g, cnt, p, wp, w2, b2p, k))

    out = jnp.concatenate([outs[0][:NSEL], outs[1][:NSEL]], axis=1)
    pos_out = p[:NSEL, :3]
    batch_out = p[:NSEL, 3].astype(jnp.int32)
    return (out, pos_out, batch_out)

# --- scband reference (transcript-rebuilt; emitter-appended) ---
"""Pipeline reference for scband-samodule-44693429682243 (READ-ONLY COPY).

The authoritative reference and input builder live on the scoring server;
editing this copy changes nothing except your own understanding.
"""

import jax, jax.numpy as jnp
import numpy as np

N = 10000
D = 128
RATIO = 0.25
R_LIST = [0.2, 0.4]
K_LIST = [32, 64]
NS = int(N * RATIO)


def setup_inputs(seed: int = 0) -> dict:
    key = jax.random.key(seed)
    ks = jax.random.split(key, 8)
    x = jax.random.normal(ks[0], (N, D), dtype=jnp.float32)
    pos = jax.random.uniform(ks[1], (N, 3), dtype=jnp.float32)
    batch = jnp.zeros((N,), dtype=jnp.int32)

    def lin(k, fi, fo):
        return (jax.random.normal(k, (fi, fo), dtype=jnp.float32) / np.sqrt(fi)).astype(jnp.float32)

    inp = {"x": x, "pos": pos, "batch": batch}
    inp["W0_0"] = lin(ks[2], D + 3, 128)
    inp["b0_0"] = jnp.zeros((128,), jnp.float32)
    inp["W0_1"] = lin(ks[3], 128, 128)
    inp["b0_1"] = jnp.zeros((128,), jnp.float32)
    inp["W1_0"] = lin(ks[4], D + 3, 128)
    inp["b1_0"] = jnp.zeros((128,), jnp.float32)
    inp["W1_1"] = lin(ks[5], 128, 128)
    inp["b1_1"] = jnp.zeros((128,), jnp.float32)
    return inp


def _fps(pos, n):
    Np = pos.shape[0]

    def body(i, state):
        sel, mind = state
        last = pos[sel[i - 1]]
        d = jnp.sum((pos - last) ** 2, axis=1)
        mind = jnp.minimum(mind, d)
        sel = sel.at[i].set(jnp.argmax(mind).astype(jnp.int32))
        return (sel, mind)

    sel0 = jnp.zeros((n,), jnp.int32)
    mind0 = jnp.full((Np,), jnp.inf, dtype=jnp.float32)
    sel, _ = jax.lax.fori_loop(1, n, body, (sel0, mind0))
    return sel


def _pointnet_conv(x, pos, batch, idx, r, K, W1, b1, W2, b2):
    pos_dst = pos[idx]
    batch_dst = batch[idx]
    # radius neighborhood: K nearest neighbors within radius r, same batch
    d2 = jnp.sum((pos_dst[:, None, :] - pos[None, :, :]) ** 2, axis=-1)
    valid = (d2 <= r * r) & (batch_dst[:, None] == batch[None, :])
    d2m = jnp.where(valid, d2, jnp.inf)
    topv, topi = jax.lax.top_k(-d2m, K)
    edge_valid = topv > -jnp.inf
    # gather source features / positions (message construction)
    x_j = jnp.take(x, topi, axis=0)
    pos_j = jnp.take(pos, topi, axis=0)
    msg = jnp.concatenate([x_j, pos_j - pos_dst[:, None, :]], axis=-1)
    h = jax.nn.relu(msg @ W1 + b1)
    h = jax.nn.relu(h @ W2 + b2)
    # max aggregation per destination node (empty -> 0, matching PyG scatter-max fill)
    h = jnp.where(edge_valid[:, :, None], h, -jnp.inf)
    agg = jnp.max(h, axis=1)
    agg = jnp.where(jnp.isfinite(agg), agg, 0.0)
    return agg


def reference(x, pos, batch, W0_0, b0_0, W0_1, b0_1, W1_0, b1_0, W1_1, b1_1):
    idx = _fps(pos, NS)
    params = [(W0_0, b0_0, W0_1, b0_1), (W1_0, b1_0, W1_1, b1_1)]
    outs = []
    for r, K, (Wa, ba, Wb, bb) in zip(R_LIST, K_LIST, params):
        outs.append(_pointnet_conv(x, pos, batch, idx, r, K, Wa, ba, Wb, bb))
    out = jnp.concatenate(outs, axis=1)
    return (out, pos[idx], batch[idx])

if __name__ == "__main__":
    import jax
    _d = setup_inputs()
    print(jax.jit(kernel)(*tuple(_d.values())))

</pallas_src>

<mosaic_0001>
#map = affine_map<(d0, d1) -> (0, 0)>
#map1 = affine_map<(d0, d1) -> (0)>
module attributes {stable_mosaic.version = 14 : i64} {
  func.func @gk(%arg0: i32, %arg1: i32, %arg2: memref<10240x128xf32, #tpu.memory_space<hbm>>, %arg3: memref<163840xi32, #tpu.memory_space<hbm>>, %arg4: memref<163840x128xf32, #tpu.memory_space<hbm>>, %arg5: memref<128xi32, #tpu.memory_space<vmem>>, %arg6: memref<128x128xf32, #tpu.memory_space<vmem>>, %arg7: memref<!tpu.dma_semaphore, #tpu.memory_space<semaphore_mem>>) attributes {dimension_semantics = [#tpu.dimension_semantics<core_parallel>, #tpu.dimension_semantics<subcore_parallel>], iteration_bounds = array<i64: 2, 16>, scalar_prefetch = 0 : i64, scratch_operands = 3 : i64, tpu.core_type = #tpu.core_type<sc_vector_subcore>, window_params = [{transform_indices = #map}, {transform_indices = #map1}, {transform_indices = #map}]} {
    %mul3A = arith.constant 2 : i32
    %mul3A_0 = arith.muli %arg1, %mul3A : i32
    %add3A = arith.addi %mul3A_0, %arg0 : i32
    %mul3A_1 = arith.constant 5120 : i32
    %mul3A_2 = arith.muli %add3A, %mul3A_1 : i32
    %scan3A = arith.constant 0 : i32
    %scan3A_3 = arith.constant 0 : i32
    %scan3A_4 = arith.constant 40 : i32
    %scan3A_5 = arith.addi %scan3A_3, %scan3A_4 : i32
    %scan3A_6 = arith.constant 1 : i32
    %scan3A_7 = scf.for %scan3A_9 = %scan3A_3 to %scan3A_5 step %scan3A_6 iter_args(%scan3A_10 = %scan3A) -> (i32)  : i32 {
      %mul3A_11 = arith.constant 128 : i32
      %mul3A_12 = arith.muli %scan3A_9, %mul3A_11 : i32
      %add3A_13 = arith.addi %mul3A_2, %mul3A_12 : i32
      "tpu.region"() ({
        %run_scoped3A = tpu.sem_alloc : memref<!tpu.dma_semaphore, #tpu.memory_space<semaphore_mem>>
        %dma_start3A_19 = tpu.memref_slice %arg3[%add3A_13] : memref<163840xi32, #tpu.memory_space<hbm>> -> memref<128xi32, #tpu.memory_space<hbm>>
        %dma_start3A_20 = tpu.memref_slice %arg3[%add3A_13] : memref<163840xi32, #tpu.memory_space<hbm>> -> memref<128xi32, #tpu.memory_space<hbm>>
        tpu.enqueue_dma source(%dma_start3A_20 : memref<128xi32, #tpu.memory_space<hbm>>) target(%arg5 : memref<128xi32, #tpu.memory_space<vmem>>) target_semaphore(%run_scoped3A : memref<!tpu.dma_semaphore, #tpu.memory_space<semaphore_mem>>)
        %dma_wait3A_21 = tpu.memref_slice %arg3[%add3A_13] : memref<163840xi32, #tpu.memory_space<hbm>> -> memref<128xi32, #tpu.memory_space<hbm>>
        %dma_wait3A_22 = tpu.memref_slice %arg3[%add3A_13] : memref<163840xi32, #tpu.memory_space<hbm>> -> memref<128xi32, #tpu.memory_space<hbm>>
        tpu.wait_dma2 semaphore(%run_scoped3A : memref<!tpu.dma_semaphore, #tpu.memory_space<semaphore_mem>>) src(%dma_wait3A_22 : memref<128xi32, #tpu.memory_space<hbm>>) dst(%arg5 : memref<128xi32, #tpu.memory_space<vmem>>)
        tpu.yield
      }) : () -> ()
      %dma_start3A = arith.constant 0 : i32
      %dma_start3A_14 = arith.constant 0 : i32
      %dma_start3A_15 = tpu.memref_slice %arg2[%dma_start3A, %dma_start3A_14] : memref<10240x128xf32, #tpu.memory_space<hbm>> -> memref<10240x128xf32, #tpu.memory_space<hbm>>
      tpu.enqueue_indirect_dma source(%dma_start3A_15 : memref<10240x128xf32, #tpu.memory_space<hbm>>) target(%arg6 : memref<128x128xf32, #tpu.memory_space<vmem>>) offsets(%arg5 : memref<128xi32, #tpu.memory_space<vmem>>) semaphore(%arg7 : memref<!tpu.dma_semaphore, #tpu.memory_space<semaphore_mem>>)
      %dma_wait3A = arith.constant 0 : i32
      %dma_wait3A_16 = arith.constant 0 : i32
      %dma_wait3A_17 = tpu.memref_slice %arg2[%dma_wait3A, %dma_wait3A_16] : memref<10240x128xf32, #tpu.memory_space<hbm>> -> memref<10240x128xf32, #tpu.memory_space<hbm>>
      tpu.wait_indirect_dma semaphore(%arg7 : memref<!tpu.dma_semaphore, #tpu.memory_space<semaphore_mem>>) src(%dma_wait3A_17 : memref<10240x128xf32, #tpu.memory_space<hbm>>) dst(%arg6 : memref<128x128xf32, #tpu.memory_space<vmem>>)
      "tpu.region"() ({
        %run_scoped3A = tpu.sem_alloc : memref<!tpu.dma_semaphore, #tpu.memory_space<semaphore_mem>>
        %dma_start3A_19 = arith.constant 0 : i32
        %dma_start3A_20 = tpu.memref_slice %arg4[%add3A_13, %dma_start3A_19] : memref<163840x128xf32, #tpu.memory_space<hbm>> -> memref<128x128xf32, #tpu.memory_space<hbm>>
        %dma_start3A_21 = arith.constant 0 : i32
        %dma_start3A_22 = tpu.memref_slice %arg4[%add3A_13, %dma_start3A_21] : memref<163840x128xf32, #tpu.memory_space<hbm>> -> memref<128x128xf32, #tpu.memory_space<hbm>>
        tpu.enqueue_dma source(%arg6 : memref<128x128xf32, #tpu.memory_space<vmem>>) target(%dma_start3A_22 : memref<128x128xf32, #tpu.memory_space<hbm>>) target_semaphore(%run_scoped3A : memref<!tpu.dma_semaphore, #tpu.memory_space<semaphore_mem>>)
        %dma_wait3A_23 = arith.constant 0 : i32
        %dma_wait3A_24 = tpu.memref_slice %arg4[%add3A_13, %dma_wait3A_23] : memref<163840x128xf32, #tpu.memory_space<hbm>> -> memref<128x128xf32, #tpu.memory_space<hbm>>
        %dma_wait3A_25 = arith.constant 0 : i32
        %dma_wait3A_26 = tpu.memref_slice %arg4[%add3A_13, %dma_wait3A_25] : memref<163840x128xf32, #tpu.memory_space<hbm>> -> memref<128x128xf32, #tpu.memory_space<hbm>>
        tpu.wait_dma2 semaphore(%run_scoped3A : memref<!tpu.dma_semaphore, #tpu.memory_space<semaphore_mem>>) src(%arg6 : memref<128x128xf32, #tpu.memory_space<vmem>>) dst(%dma_wait3A_26 : memref<128x128xf32, #tpu.memory_space<hbm>>)
        tpu.yield
      }) : () -> ()
      %scan3A_18 = arith.constant 0 : i32
      scf.yield %scan3A_18 : i32
    }
    %scan3A_8 = arith.constant 40 : i32
    return
  }
}

#map = affine_map<(d0, d1) -> (0, 0)>
#map1 = affine_map<(d0, d1) -> (0)>
module attributes {stable_mosaic.version = 14 : i64} {
  func.func @gk(%arg0: i32, %arg1: i32, %arg2: memref<10240x128xf32, #tpu.memory_space<hbm>>, %arg3: memref<81920xi32, #tpu.memory_space<hbm>>, %arg4: memref<81920x128xf32, #tpu.memory_space<hbm>>, %arg5: memref<128xi32, #tpu.memory_space<vmem>>, %arg6: memref<128x128xf32, #tpu.memory_space<vmem>>, %arg7: memref<!tpu.dma_semaphore, #tpu.memory_space<semaphore_mem>>) attributes {dimension_semantics = [#tpu.dimension_semantics<core_parallel>, #tpu.dimension_semantics<subcore_parallel>], iteration_bounds = array<i64: 2, 16>, scalar_prefetch = 0 : i64, scratch_operands = 3 : i64, tpu.core_type = #tpu.core_type<sc_vector_subcore>, window_params = [{transform_indices = #map}, {transform_indices = #map1}, {transform_indices = #map}]} {
    %mul3A = arith.constant 2 : i32
    %mul3A_0 = arith.muli %arg1, %mul3A : i32
    %add3A = arith.addi %mul3A_0, %arg0 : i32
    %mul3A_1 = arith.constant 2560 : i32
    %mul3A_2 = arith.muli %add3A, %mul3A_1 : i32
    %scan3A = arith.constant 0 : i32
    %scan3A_3 = arith.constant 0 : i32
    %scan3A_4 = arith.constant 20 : i32
    %scan3A_5 = arith.addi %scan3A_3, %scan3A_4 : i32
    %scan3A_6 = arith.constant 1 : i32
    %scan3A_7 = scf.for %scan3A_9 = %scan3A_3 to %scan3A_5 step %scan3A_6 iter_args(%scan3A_10 = %scan3A) -> (i32)  : i32 {
      %mul3A_11 = arith.constant 128 : i32
      %mul3A_12 = arith.muli %scan3A_9, %mul3A_11 : i32
      %add3A_13 = arith.addi %mul3A_2, %mul3A_12 : i32
      "tpu.region"() ({
        %run_scoped3A = tpu.sem_alloc : memref<!tpu.dma_semaphore, #tpu.memory_space<semaphore_mem>>
        %dma_start3A_19 = tpu.memref_slice %arg3[%add3A_13] : memref<81920xi32, #tpu.memory_space<hbm>> -> memref<128xi32, #tpu.memory_space<hbm>>
        %dma_start3A_20 = tpu.memref_slice %arg3[%add3A_13] : memref<81920xi32, #tpu.memory_space<hbm>> -> memref<128xi32, #tpu.memory_space<hbm>>
        tpu.enqueue_dma source(%dma_start3A_20 : memref<128xi32, #tpu.memory_space<hbm>>) target(%arg5 : memref<128xi32, #tpu.memory_space<vmem>>) target_semaphore(%run_scoped3A : memref<!tpu.dma_semaphore, #tpu.memory_space<semaphore_mem>>)
        %dma_wait3A_21 = tpu.memref_slice %arg3[%add3A_13] : memref<81920xi32, #tpu.memory_space<hbm>> -> memref<128xi32, #tpu.memory_space<hbm>>
        %dma_wait3A_22 = tpu.memref_slice %arg3[%add3A_13] : memref<81920xi32, #tpu.memory_space<hbm>> -> memref<128xi32, #tpu.memory_space<hbm>>
        tpu.wait_dma2 semaphore(%run_scoped3A : memref<!tpu.dma_semaphore, #tpu.memory_space<semaphore_mem>>) src(%dma_wait3A_22 : memref<128xi32, #tpu.memory_space<hbm>>) dst(%arg5 : memref<128xi32, #tpu.memory_space<vmem>>)
        tpu.yield
      }) : () -> ()
      %dma_start3A = arith.constant 0 : i32
      %dma_start3A_14 = arith.constant 0 : i32
      %dma_start3A_15 = tpu.memref_slice %arg2[%dma_start3A, %dma_start3A_14] : memref<10240x128xf32, #tpu.memory_space<hbm>> -> memref<10240x128xf32, #tpu.memory_space<hbm>>
      tpu.enqueue_indirect_dma source(%dma_start3A_15 : memref<10240x128xf32, #tpu.memory_space<hbm>>) target(%arg6 : memref<128x128xf32, #tpu.memory_space<vmem>>) offsets(%arg5 : memref<128xi32, #tpu.memory_space<vmem>>) semaphore(%arg7 : memref<!tpu.dma_semaphore, #tpu.memory_space<semaphore_mem>>)
      %dma_wait3A = arith.constant 0 : i32
      %dma_wait3A_16 = arith.constant 0 : i32
      %dma_wait3A_17 = tpu.memref_slice %arg2[%dma_wait3A, %dma_wait3A_16] : memref<10240x128xf32, #tpu.memory_space<hbm>> -> memref<10240x128xf32, #tpu.memory_space<hbm>>
      tpu.wait_indirect_dma semaphore(%arg7 : memref<!tpu.dma_semaphore, #tpu.memory_space<semaphore_mem>>) src(%dma_wait3A_17 : memref<10240x128xf32, #tpu.memory_space<hbm>>) dst(%arg6 : memref<128x128xf32, #tpu.memory_space<vmem>>)
      "tpu.region"() ({
        %run_scoped3A = tpu.sem_alloc : memref<!tpu.dma_semaphore, #tpu.memory_space<semaphore_mem>>
        %dma_start3A_19 = arith.constant 0 : i32
        %dma_start3A_20 = tpu.memref_slice %arg4[%add3A_13, %dma_start3A_19] : memref<81920x128xf32, #tpu.memory_space<hbm>> -> memref<128x128xf32, #tpu.memory_space<hbm>>
        %dma_start3A_21 = arith.constant 0 : i32
        %dma_start3A_22 = tpu.memref_slice %arg4[%add3A_13, %dma_start3A_21] : memref<81920x128xf32, #tpu.memory_space<hbm>> -> memref<128x128xf32, #tpu.memory_space<hbm>>
        tpu.enqueue_dma source(%arg6 : memref<128x128xf32, #tpu.memory_space<vmem>>) target(%dma_start3A_22 : memref<128x128xf32, #tpu.memory_space<hbm>>) target_semaphore(%run_scoped3A : memref<!tpu.dma_semaphore, #tpu.memory_space<semaphore_mem>>)
        %dma_wait3A_23 = arith.constant 0 : i32
        %dma_wait3A_24 = tpu.memref_slice %arg4[%add3A_13, %dma_wait3A_23] : memref<81920x128xf32, #tpu.memory_space<hbm>> -> memref<128x128xf32, #tpu.memory_space<hbm>>
        %dma_wait3A_25 = arith.constant 0 : i32
        %dma_wait3A_26 = tpu.memref_slice %arg4[%add3A_13, %dma_wait3A_25] : memref<81920x128xf32, #tpu.memory_space<hbm>> -> memref<128x128xf32, #tpu.memory_space<hbm>>
        tpu.wait_dma2 semaphore(%run_scoped3A : memref<!tpu.dma_semaphore, #tpu.memory_space<semaphore_mem>>) src(%arg6 : memref<128x128xf32, #tpu.memory_space<vmem>>) dst(%dma_wait3A_26 : memref<128x128xf32, #tpu.memory_space<hbm>>)
        tpu.yield
      }) : () -> ()
      %scan3A_18 = arith.constant 0 : i32
      scf.yield %scan3A_18 : i32
    }
    %scan3A_8 = arith.constant 20 : i32
    return
  }
}

module attributes {stable_mosaic.version = 14 : i64} {
  func.func @_topk_body(%arg0: i32, %arg1: memref<8x10240xf32, #tpu.memory_space<vmem>>, %arg2: memref<128x128xf32, #tpu.memory_space<vmem>>, %arg3: memref<128x32xi32, #tpu.memory_space<vmem>>, %arg4: memref<128x128xf32, #tpu.memory_space<vmem>>, %arg5: memref<128x10240xf32, #tpu.memory_space<vmem>>) attributes {dimension_semantics = [#tpu.dimension_semantics<arbitrary>], iteration_bounds = array<i64: 20>, scalar_prefetch = 0 : i64, scratch_operands = 1 : i64, tpu.core_type = #tpu.core_type<tc>, window_params = [{pipeline_mode = #tpu.pipeline_mode<synchronous>, transform_indices = @transform_0, window_bounds = array<i64: 8, 10240>}, {transform_indices = @transform_1, window_bounds = array<i64: 128, 128>}, {transform_indices = @transform_2, window_bounds = array<i64: 128, 32>}, {transform_indices = @transform_3, window_bounds = array<i64: 128, 128>}]} {
    %get3A = arith.constant 0 : index
    %get3A_0 = arith.constant 0 : index
    %get3A_1 = vector.load %arg2[%get3A, %get3A_0] : memref<128x128xf32, #tpu.memory_space<vmem>>, vector<128x1xf32>
    %get3A_2 = arith.constant 0 : index
    %get3A_3 = arith.constant 1 : index
    %get3A_4 = vector.load %arg2[%get3A_2, %get3A_3] : memref<128x128xf32, #tpu.memory_space<vmem>>, vector<128x1xf32>
    %get3A_5 = arith.constant 0 : index
    %get3A_6 = arith.constant 2 : index
    %get3A_7 = vector.load %arg2[%get3A_5, %get3A_6] : memref<128x128xf32, #tpu.memory_space<vmem>>, vector<128x1xf32>
    %get3A_8 = arith.constant 0 : index
    %get3A_9 = arith.constant 0 : index
    %get3A_10 = vector.load %arg1[%get3A_8, %get3A_9] : memref<8x10240xf32, #tpu.memory_space<vmem>>, vector<1x10240xf32>
    %get3A_11 = arith.constant 1 : index
    %get3A_12 = arith.constant 0 : index
    %get3A_13 = vector.load %arg1[%get3A_11, %get3A_12] : memref<8x10240xf32, #tpu.memory_space<vmem>>, vector<1x10240xf32>
    %get3A_14 = arith.constant 2 : index
    %get3A_15 = arith.constant 0 : index
    %get3A_16 = vector.load %arg1[%get3A_14, %get3A_15] : memref<8x10240xf32, #tpu.memory_space<vmem>>, vector<1x10240xf32>
    %sub3A = vector.broadcast %get3A_10 : vector<1x10240xf32> to vector<128x10240xf32>
    %sub3A_17 = vector.broadcast %get3A_1 : vector<128x1xf32> to vector<128x10240xf32>
    %sub3A_18 = arith.subf %sub3A, %sub3A_17 : vector<128x10240xf32>
    %sub3A_19 = vector.broadcast %get3A_13 : vector<1x10240xf32> to vector<128x10240xf32>
    %sub3A_20 = vector.broadcast %get3A_4 : vector<128x1xf32> to vector<128x10240xf32>
    %sub3A_21 = arith.subf %sub3A_19, %sub3A_20 : vector<128x10240xf32>
    %sub3A_22 = vector.broadcast %get3A_16 : vector<1x10240xf32> to vector<128x10240xf32>
    %sub3A_23 = vector.broadcast %get3A_7 : vector<128x1xf32> to vector<128x10240xf32>
    %sub3A_24 = arith.subf %sub3A_22, %sub3A_23 : vector<128x10240xf32>
    %mul3A = arith.mulf %sub3A_18, %sub3A_18 : vector<128x10240xf32>
    %mul3A_25 = arith.mulf %sub3A_21, %sub3A_21 : vector<128x10240xf32>
    %add3A = arith.addf %mul3A, %mul3A_25 : vector<128x10240xf32>
    %mul3A_26 = arith.mulf %sub3A_24, %sub3A_24 : vector<128x10240xf32>
    %add3A_27 = arith.addf %add3A, %mul3A_26 : vector<128x10240xf32>
    %iota3A = tpu.iota {dimensions = array<i32: 1>} : vector<128x10240xi32>
    %convert_element_type3A = arith.sitofp %iota3A : vector<128x10240xi32> to vector<128x10240xf32>
    %le3A = arith.constant 4.000000e-02 : f32
    %le3A_28 = vector.broadcast %le3A : f32 to vector<128x10240xf32>
    %le3A_29 = arith.cmpf ole, %add3A_27, %le3A_28 : vector<128x10240xf32>
    %lt3A = arith.constant 1.000000e+04 : f32
    %lt3A_30 = vector.broadcast %lt3A : f32 to vector<128x10240xf32>
    %lt3A_31 = arith.cmpf olt, %convert_element_type3A, %lt3A_30 : vector<128x10240xf32>
    %and3A = arith.andi %le3A_29, %lt3A_31 : vector<128x10240xi1>
    %jit3A = arith.constant 0x7F800000 : f32
    %broadcast_in_dim3A = vector.broadcast %jit3A : f32 to vector<128x10240xf32>
    %select_n3A = arith.select %and3A, %add3A_27, %broadcast_in_dim3A : vector<128x10240xi1>, vector<128x10240xf32>
    %swap3A = arith.constant 0 : index
    %swap3A_32 = arith.constant 0 : index
    %swap3A_33 = vector.load %arg5[%swap3A, %swap3A_32] : memref<128x10240xf32, #tpu.memory_space<vmem>>, vector<128x10240xf32>
    tpu.vector_store %arg5[%swap3A, %swap3A_32], %select_n3A {strides = array<i32>} : memref<128x10240xf32, #tpu.memory_space<vmem>>, vector<128x10240xf32>,
    %iota3A_34 = tpu.iota {dimensions = array<i32: 1>} : vector<128x32xi32>
    %broadcast_in_dim3A_35 = arith.constant 0.000000e+00 : f32
    %broadcast_in_dim3A_36 = vector.broadcast %broadcast_in_dim3A_35 : f32 to vector<128x32xf32>
    %broadcast_in_dim3A_37 = arith.constant 0.000000e+00 : f32
    %broadcast_in_dim3A_38 = vector.broadcast %broadcast_in_dim3A_37 : f32 to vector<128x1xf32>
    %sub3A_39 = arith.constant 1.000000e+00 : f32
    %sub3A_40 = vector.broadcast %sub3A_39 : f32 to vector<128x1xf32>
    %sub3A_41 = arith.subf %broadcast_in_dim3A_38, %sub3A_40 : vector<128x1xf32>
    %sub3A_42 = arith.constant 1.000000e+00 : f32
    %sub3A_43 = vector.broadcast %sub3A_42 : f32 to vector<128x1xf32>
    %sub3A_44 = arith.subf %broadcast_in_dim3A_38, %sub3A_43 : vector<128x1xf32>
    %scan3A = arith.constant 0 : i32
    %scan3A_45 = arith.constant 32 : i32
    %scan3A_46 = arith.addi %scan3A, %scan3A_45 : i32
    %scan3A_47 = arith.constant 1 : i32
    %scan3A_48:4 = scf.for %scan3A_59 = %scan3A to %scan3A_46 step %scan3A_47 iter_args(%scan3A_60 = %broadcast_in_dim3A_36, %scan3A_61 = %broadcast_in_dim3A_38, %scan3A_62 = %sub3A_41, %scan3A_63 = %sub3A_44) -> (vector<128x32xf32>, vector<128x1xf32>, vector<128x1xf32>, vector<128x1xf32>)  : i32 {
      %get3A_64 = arith.constant 0 : index
      %get3A_65 = arith.constant 0 : index
      %get3A_66 = vector.load %arg5[%get3A_64, %get3A_65] : memref<128x10240xf32, #tpu.memory_space<vmem>>, vector<128x10240xf32>
      %gt3A = vector.broadcast %scan3A_62 : vector<128x1xf32> to vector<128x10240xf32>
      %gt3A_67 = arith.cmpf ogt, %get3A_66, %gt3A : vector<128x10240xf32>
      %eq3A = vector.broadcast %scan3A_62 : vector<128x1xf32> to vector<128x10240xf32>
      %eq3A_68 = arith.cmpf oeq, %get3A_66, %eq3A : vector<128x10240xf32>
      %gt3A_69 = vector.broadcast %scan3A_63 : vector<128x1xf32> to vector<128x10240xf32>
      %gt3A_70 = arith.cmpf ogt, %convert_element_type3A, %gt3A_69 : vector<128x10240xf32>
      %and3A_71 = arith.andi %eq3A_68, %gt3A_70 : vector<128x10240xi1>
      %or3A = arith.ori %gt3A_67, %and3A_71 : vector<128x10240xi1>
      %jit3A_72 = arith.constant 0x7F800000 : f32
      %broadcast_in_dim3A_73 = vector.broadcast %jit3A_72 : f32 to vector<128x10240xf32>
      %select_n3A_74 = arith.select %or3A, %get3A_66, %broadcast_in_dim3A_73 : vector<128x10240xi1>, vector<128x10240xf32>
      %reduce_min3A = arith.constant dense<0x7F800000> : vector<128xf32>
      %reduce_min3A_75 = vector.multi_reduction <minimumf>, %select_n3A_74, %reduce_min3A [1] : vector<128x10240xf32> to vector<128xf32>
      %broadcast_in_dim3A_76 = vector.shape_cast %reduce_min3A_75 : vector<128xf32> to vector<128x1xf32>
      %le3A_77 = arith.constant 4.000000e-02 : f32
      %le3A_78 = vector.broadcast %le3A_77 : f32 to vector<128x1xf32>
      %le3A_79 = arith.cmpf ole, %broadcast_in_dim3A_76, %le3A_78 : vector<128x1xf32>
      %eq3A_80 = vector.broadcast %broadcast_in_dim3A_76 : vector<128x1xf32> to vector<128x10240xf32>
      %eq3A_81 = arith.cmpf oeq, %select_n3A_74, %eq3A_80 : vector<128x10240xf32>
      %jit3A_82 = arith.constant 1.000000e+09 : f32
      %broadcast_in_dim3A_83 = vector.broadcast %jit3A_82 : f32 to vector<128x10240xf32>
      %select_n3A_84 = arith.select %eq3A_81, %convert_element_type3A, %broadcast_in_dim3A_83 : vector<128x10240xi1>, vector<128x10240xf32>
      %reduce_min3A_85 = arith.constant dense<0x7F800000> : vector<128xf32>
      %reduce_min3A_86 = vector.multi_reduction <minimumf>, %select_n3A_84, %reduce_min3A_85 [1] : vector<128x10240xf32> to vector<128xf32>
      %broadcast_in_dim3A_87 = vector.shape_cast %reduce_min3A_86 : vector<128xf32> to vector<128x1xf32>
      %jit3A_88 = arith.constant 0.000000e+00 : f32
      %broadcast_in_dim3A_89 = vector.broadcast %jit3A_88 : f32 to vector<128x1xf32>
      %select_n3A_90 = arith.select %le3A_79, %broadcast_in_dim3A_87, %broadcast_in_dim3A_89 : vector<128x1xi1>, vector<128x1xf32>
      %eq3A_91 = vector.broadcast %scan3A_59 : i32 to vector<128x32xi32>
      %eq3A_92 = arith.cmpi eq, %iota3A_34, %eq3A_91 : vector<128x32xi32>
      %jit3A_93 = arith.constant 0.000000e+00 : f32
      %broadcast_in_dim3A_94 = vector.shape_cast %select_n3A_90 : vector<128x1xf32> to vector<128x1xf32>
      %broadcast_in_dim3A_95 = vector.broadcast %broadcast_in_dim3A_94 : vector<128x1xf32> to vector<128x32xf32>
      %broadcast_in_dim3A_96 = vector.broadcast %jit3A_93 : f32 to vector<128x32xf32>
      %select_n3A_97 = arith.select %eq3A_92, %broadcast_in_dim3A_95, %broadcast_in_dim3A_96 : vector<128x32xi1>, vector<128x32xf32>
      %add3A_98 = arith.addf %scan3A_60, %select_n3A_97 : vector<128x32xf32>
      %jit3A_99 = arith.constant 1.000000e+00 : f32
      %jit3A_100 = arith.constant 0.000000e+00 : f32
      %broadcast_in_dim3A_101 = vector.broadcast %jit3A_99 : f32 to vector<128x1xf32>
      %broadcast_in_dim3A_102 = vector.broadcast %jit3A_100 : f32 to vector<128x1xf32>
      %select_n3A_103 = arith.select %le3A_79, %broadcast_in_dim3A_101, %broadcast_in_dim3A_102 : vector<128x1xi1>, vector<128x1xf32>
      %add3A_104 = arith.addf %scan3A_61, %select_n3A_103 : vector<128x1xf32>
      %select_n3A_105 = arith.select %le3A_79, %broadcast_in_dim3A_76, %scan3A_62 : vector<128x1xi1>, vector<128x1xf32>
      %select_n3A_106 = arith.select %le3A_79, %select_n3A_90, %scan3A_63 : vector<128x1xi1>, vector<128x1xf32>
      scf.yield %add3A_98, %add3A_104, %select_n3A_105, %select_n3A_106 : vector<128x32xf32>, vector<128x1xf32>, vector<128x1xf32>, vector<128x1xf32>
    }
    %scan3A_49 = arith.constant 32 : i32
    %convert_element_type3A_50 = arith.fptosi %scan3A_48#0 : vector<128x32xf32> to vector<128x32xi32>
    %swap3A_51 = arith.constant 0 : index
    %swap3A_52 = arith.constant 0 : index
    %swap3A_53 = vector.load %arg3[%swap3A_51, %swap3A_52] : memref<128x32xi32, #tpu.memory_space<vmem>>, vector<128x32xi32>
    tpu.vector_store %arg3[%swap3A_51, %swap3A_52], %convert_element_type3A_50 {strides = array<i32>} : memref<128x32xi32, #tpu.memory_space<vmem>>, vector<128x32xi32>,
    %broadcast_in_dim3A_54 = vector.shape_cast %scan3A_48#1 : vector<128x1xf32> to vector<128x1xf32>
    %broadcast_in_dim3A_55 = vector.broadcast %broadcast_in_dim3A_54 : vector<128x1xf32> to vector<128x128xf32>
    %swap3A_56 = arith.constant 0 : index
    %swap3A_57 = arith.constant 0 : index
    %swap3A_58 = vector.load %arg4[%swap3A_56, %swap3A_57] : memref<128x128xf32, #tpu.memory_space<vmem>>, vector<128x128xf32>
    tpu.vector_store %arg4[%swap3A_56, %swap3A_57], %broadcast_in_dim3A_55 {strides = array<i32>} : memref<128x128xf32, #tpu.memory_space<vmem>>, vector<128x128xf32>,
    return
  }
  func.func @transform_0(%arg0: i32) -> (i32, i32) {
    %c0_i32 = arith.constant 0 : i32
    %c0_i32_0 = arith.constant 0 : i32
    %c0_i32_1 = arith.constant 0 : i32
    return %c0_i32, %c0_i32_0 : i32, i32
  }
  func.func @transform_1(%arg0: i32) -> (i32, i32) {
    %c0_i32 = arith.constant 0 : i32
    %c0_i32_0 = arith.constant 0 : i32
    return %arg0, %c0_i32 : i32, i32
  }
  func.func @transform_2(%arg0: i32) -> (i32, i32) {
    %c0_i32 = arith.constant 0 : i32
    %c0_i32_0 = arith.constant 0 : i32
    return %arg0, %c0_i32 : i32, i32
  }
  func.func @transform_3(%arg0: i32) -> (i32, i32) {
    %c0_i32 = arith.constant 0 : i32
    %c0_i32_0 = arith.constant 0 : i32
    return %arg0, %c0_i32 : i32, i32
  }
}

module attributes {stable_mosaic.version = 14 : i64} {
  func.func @_fps_body(%arg0: memref<80x128xf32, #tpu.memory_space<vmem>>, %arg1: memref<80x128xf32, #tpu.memory_space<vmem>>, %arg2: memref<80x128xf32, #tpu.memory_space<vmem>>, %arg3: memref<80x128xf32, #tpu.memory_space<vmem>>, %arg4: memref<2560x128xf32, #tpu.memory_space<vmem>>) attributes {dimension_semantics = [], scalar_prefetch = 0 : i64, scratch_operands = 0 : i64, tpu.core_type = #tpu.core_type<tc>} {
    %iota3A = tpu.iota {dimensions = array<i32: 0>} : vector<80x128xi32>
    %iota3A_0 = tpu.iota {dimensions = array<i32: 1>} : vector<80x128xi32>
    %mul3A = arith.constant 128 : i32
    %mul3A_1 = vector.broadcast %mul3A : i32 to vector<80x128xi32>
    %mul3A_2 = arith.muli %iota3A, %mul3A_1 : vector<80x128xi32>
    %add3A = arith.addi %mul3A_2, %iota3A_0 : vector<80x128xi32>
    %convert_element_type3A = arith.sitofp %add3A : vector<80x128xi32> to vector<80x128xf32>
    %iota3A_3 = tpu.iota {dimensions = array<i32: 1>} : vector<1x128xi32>
    %lt3A = arith.constant 1.000000e+04 : f32
    %lt3A_4 = vector.broadcast %lt3A : f32 to vector<80x128xf32>
    %lt3A_5 = arith.cmpf olt, %convert_element_type3A, %lt3A_4 : vector<80x128xf32>
    %jit3A = arith.constant 0x7F800000 : f32
    %jit3A_6 = arith.constant -1.000000e+00 : f32
    %broadcast_in_dim3A = vector.broadcast %jit3A : f32 to vector<80x128xf32>
    %broadcast_in_dim3A_7 = vector.broadcast %jit3A_6 : f32 to vector<80x128xf32>
    %select_n3A = arith.select %lt3A_5, %broadcast_in_dim3A, %broadcast_in_dim3A_7 : vector<80x128xi1>, vector<80x128xf32>
    %broadcast_in_dim3A_8 = arith.constant 0.000000e+00 : f32
    %broadcast_in_dim3A_9 = vector.broadcast %broadcast_in_dim3A_8 : f32 to vector<2560x128xf32>
    %swap3A = arith.constant 0 : index
    %swap3A_10 = arith.constant 0 : index
    %swap3A_11 = vector.load %arg4[%swap3A, %swap3A_10] : memref<2560x128xf32, #tpu.memory_space<vmem>>, vector<2560x128xf32>
    tpu.vector_store %arg4[%swap3A, %swap3A_10], %broadcast_in_dim3A_9 {strides = array<i32>} : memref<2560x128xf32, #tpu.memory_space<vmem>>, vector<2560x128xf32>,
    %get3A = arith.constant 0 : index
    %get3A_12 = arith.constant 0 : index
    %get3A_13 = vector.load %arg0[%get3A, %get3A_12] : memref<80x128xf32, #tpu.memory_space<vmem>>, vector<1x1xf32>
    %get3A_14 = arith.constant 0 : index
    %get3A_15 = arith.constant 0 : index
    %get3A_16 = vector.load %arg1[%get3A_14, %get3A_15] : memref<80x128xf32, #tpu.memory_space<vmem>>, vector<1x1xf32>
    %get3A_17 = arith.constant 0 : index
    %get3A_18 = arith.constant 0 : index
    %get3A_19 = vector.load %arg2[%get3A_17, %get3A_18] : memref<80x128xf32, #tpu.memory_space<vmem>>, vector<1x1xf32>
    %get3A_20 = arith.constant 0 : index
    %get3A_21 = arith.constant 0 : index
    %get3A_22 = vector.load %arg3[%get3A_20, %get3A_21] : memref<80x128xf32, #tpu.memory_space<vmem>>, vector<1x1xf32>
    %eq3A = arith.constant 0 : i32
    %eq3A_23 = vector.broadcast %eq3A : i32 to vector<1x128xi32>
    %eq3A_24 = arith.cmpi eq, %iota3A_3, %eq3A_23 : vector<1x128xi32>
    %eq3A_25 = arith.constant 1 : i32
    %eq3A_26 = vector.broadcast %eq3A_25 : i32 to vector<1x128xi32>
    %eq3A_27 = arith.cmpi eq, %iota3A_3, %eq3A_26 : vector<1x128xi32>
    %eq3A_28 = arith.constant 2 : i32
    %eq3A_29 = vector.broadcast %eq3A_28 : i32 to vector<1x128xi32>
    %eq3A_30 = arith.cmpi eq, %iota3A_3, %eq3A_29 : vector<1x128xi32>
    %eq3A_31 = arith.constant 3 : i32
    %eq3A_32 = vector.broadcast %eq3A_31 : i32 to vector<1x128xi32>
    %eq3A_33 = arith.cmpi eq, %iota3A_3, %eq3A_32 : vector<1x128xi32>
    %jit3A_34 = arith.constant 0.000000e+00 : f32
    %broadcast_in_dim3A_35 = vector.shape_cast %get3A_22 : vector<1x1xf32> to vector<1x1xf32>
    %broadcast_in_dim3A_36 = vector.broadcast %broadcast_in_dim3A_35 : vector<1x1xf32> to vector<1x128xf32>
    %broadcast_in_dim3A_37 = vector.broadcast %jit3A_34 : f32 to vector<1x128xf32>
    %select_n3A_38 = arith.select %eq3A_33, %broadcast_in_dim3A_36, %broadcast_in_dim3A_37 : vector<1x128xi1>, vector<1x128xf32>
    %broadcast_in_dim3A_39 = vector.shape_cast %get3A_19 : vector<1x1xf32> to vector<1x1xf32>
    %broadcast_in_dim3A_40 = vector.broadcast %broadcast_in_dim3A_39 : vector<1x1xf32> to vector<1x128xf32>
    %select_n3A_41 = arith.select %eq3A_30, %broadcast_in_dim3A_40, %select_n3A_38 : vector<1x128xi1>, vector<1x128xf32>
    %broadcast_in_dim3A_42 = vector.shape_cast %get3A_16 : vector<1x1xf32> to vector<1x1xf32>
    %broadcast_in_dim3A_43 = vector.broadcast %broadcast_in_dim3A_42 : vector<1x1xf32> to vector<1x128xf32>
    %select_n3A_44 = arith.select %eq3A_27, %broadcast_in_dim3A_43, %select_n3A_41 : vector<1x128xi1>, vector<1x128xf32>
    %broadcast_in_dim3A_45 = vector.shape_cast %get3A_13 : vector<1x1xf32> to vector<1x1xf32>
    %broadcast_in_dim3A_46 = vector.broadcast %broadcast_in_dim3A_45 : vector<1x1xf32> to vector<1x128xf32>
    %select_n3A_47 = arith.select %eq3A_24, %broadcast_in_dim3A_46, %select_n3A_44 : vector<1x128xi1>, vector<1x128xf32>
    %swap3A_48 = arith.constant 0 : index
    %swap3A_49 = arith.constant 0 : index
    %swap3A_50 = vector.load %arg4[%swap3A_48, %swap3A_49] : memref<2560x128xf32, #tpu.memory_space<vmem>>, vector<1x128xf32>
    tpu.vector_store %arg4[%swap3A_48, %swap3A_49], %select_n3A_47 {strides = array<i32>} : memref<2560x128xf32, #tpu.memory_space<vmem>>, vector<1x128xf32>,
    %scan3A = arith.constant 1 : i32
    %scan3A_51 = arith.constant 2499 : i32
    %scan3A_52 = arith.addi %scan3A, %scan3A_51 : i32
    %scan3A_53 = arith.constant 1 : i32
    %scan3A_54:4 = scf.for %scan3A_56 = %scan3A to %scan3A_52 step %scan3A_53 iter_args(%scan3A_57 = %select_n3A, %scan3A_58 = %get3A_13, %scan3A_59 = %get3A_16, %scan3A_60 = %get3A_19) -> (vector<80x128xf32>, vector<1x1xf32>, vector<1x1xf32>, vector<1x1xf32>)  : i32 {
      %get3A_61 = arith.constant 0 : index
      %get3A_62 = arith.constant 0 : index
      %get3A_63 = vector.load %arg0[%get3A_61, %get3A_62] : memref<80x128xf32, #tpu.memory_space<vmem>>, vector<80x128xf32>
      %get3A_64 = arith.constant 0 : index
      %get3A_65 = arith.constant 0 : index
      %get3A_66 = vector.load %arg1[%get3A_64, %get3A_65] : memref<80x128xf32, #tpu.memory_space<vmem>>, vector<80x128xf32>
      %get3A_67 = arith.constant 0 : index
      %get3A_68 = arith.constant 0 : index
      %get3A_69 = vector.load %arg2[%get3A_67, %get3A_68] : memref<80x128xf32, #tpu.memory_space<vmem>>, vector<80x128xf32>
      %sub3A = vector.broadcast %scan3A_58 : vector<1x1xf32> to vector<80x128xf32>
      %sub3A_70 = arith.subf %get3A_63, %sub3A : vector<80x128xf32>
      %sub3A_71 = vector.broadcast %scan3A_59 : vector<1x1xf32> to vector<80x128xf32>
      %sub3A_72 = arith.subf %get3A_66, %sub3A_71 : vector<80x128xf32>
      %sub3A_73 = vector.broadcast %scan3A_60 : vector<1x1xf32> to vector<80x128xf32>
      %sub3A_74 = arith.subf %get3A_69, %sub3A_73 : vector<80x128xf32>
      %mul3A_75 = arith.mulf %sub3A_70, %sub3A_70 : vector<80x128xf32>
      %mul3A_76 = arith.mulf %sub3A_72, %sub3A_72 : vector<80x128xf32>
      %add3A_77 = arith.addf %mul3A_75, %mul3A_76 : vector<80x128xf32>
      %mul3A_78 = arith.mulf %sub3A_74, %sub3A_74 : vector<80x128xf32>
      %add3A_79 = arith.addf %add3A_77, %mul3A_78 : vector<80x128xf32>
      %min3A = arith.minimumf %scan3A_57, %add3A_79 : vector<80x128xf32>
      %reduce_max3A = arith.constant dense<0xFF800000> : vector<128xf32>
      %reduce_max3A_80 = vector.multi_reduction <maximumf>, %min3A, %reduce_max3A [0] : vector<80x128xf32> to vector<128xf32>
      %broadcast_in_dim3A_81 = vector.shape_cast %reduce_max3A_80 : vector<128xf32> to vector<1x128xf32>
      %reduce_max3A_82 = arith.constant dense<0xFF800000> : vector<1xf32>
      %reduce_max3A_83 = vector.multi_reduction <maximumf>, %broadcast_in_dim3A_81, %reduce_max3A_82 [1] : vector<1x128xf32> to vector<1xf32>
      %broadcast_in_dim3A_84 = vector.shape_cast %reduce_max3A_83 : vector<1xf32> to vector<1x1xf32>
      %eq3A_85 = vector.broadcast %broadcast_in_dim3A_84 : vector<1x1xf32> to vector<80x128xf32>
      %eq3A_86 = arith.cmpf oeq, %min3A, %eq3A_85 : vector<80x128xf32>
      %jit3A_87 = arith.constant 1.000000e+09 : f32
      %broadcast_in_dim3A_88 = vector.broadcast %jit3A_87 : f32 to vector<80x128xf32>
      %select_n3A_89 = arith.select %eq3A_86, %convert_element_type3A, %broadcast_in_dim3A_88 : vector<80x128xi1>, vector<80x128xf32>
      %reduce_min3A = arith.constant dense<0x7F800000> : vector<128xf32>
      %reduce_min3A_90 = vector.multi_reduction <minimumf>, %select_n3A_89, %reduce_min3A [0] : vector<80x128xf32> to vector<128xf32>
      %broadcast_in_dim3A_91 = vector.shape_cast %reduce_min3A_90 : vector<128xf32> to vector<1x128xf32>
      %reduce_min3A_92 = arith.constant dense<0x7F800000> : vector<1xf32>
      %reduce_min3A_93 = vector.multi_reduction <minimumf>, %broadcast_in_dim3A_91, %reduce_min3A_92 [1] : vector<1x128xf32> to vector<1xf32>
      %broadcast_in_dim3A_94 = vector.shape_cast %reduce_min3A_93 : vector<1xf32> to vector<1x1xf32>
      %eq3A_95 = vector.broadcast %broadcast_in_dim3A_94 : vector<1x1xf32> to vector<80x128xf32>
      %eq3A_96 = arith.cmpf oeq, %convert_element_type3A, %eq3A_95 : vector<80x128xf32>
      %jit3A_97 = arith.constant -1.000000e+09 : f32
      %broadcast_in_dim3A_98 = vector.broadcast %jit3A_97 : f32 to vector<80x128xf32>
      %select_n3A_99 = arith.select %eq3A_96, %get3A_63, %broadcast_in_dim3A_98 : vector<80x128xi1>, vector<80x128xf32>
      %reduce_max3A_100 = arith.constant dense<0xFF800000> : vector<128xf32>
      %reduce_max3A_101 = vector.multi_reduction <maximumf>, %select_n3A_99, %reduce_max3A_100 [0] : vector<80x128xf32> to vector<128xf32>
      %broadcast_in_dim3A_102 = vector.shape_cast %reduce_max3A_101 : vector<128xf32> to vector<1x128xf32>
      %reduce_max3A_103 = arith.constant dense<0xFF800000> : vector<1xf32>
      %reduce_max3A_104 = vector.multi_reduction <maximumf>, %broadcast_in_dim3A_102, %reduce_max3A_103 [1] : vector<1x128xf32> to vector<1xf32>
      %broadcast_in_dim3A_105 = vector.shape_cast %reduce_max3A_104 : vector<1xf32> to vector<1x1xf32>
      %jit3A_106 = arith.constant -1.000000e+09 : f32
      %broadcast_in_dim3A_107 = vector.broadcast %jit3A_106 : f32 to vector<80x128xf32>
      %select_n3A_108 = arith.select %eq3A_96, %get3A_66, %broadcast_in_dim3A_107 : vector<80x128xi1>, vector<80x128xf32>
      %reduce_max3A_109 = arith.constant dense<0xFF800000> : vector<128xf32>
      %reduce_max3A_110 = vector.multi_reduction <maximumf>, %select_n3A_108, %reduce_max3A_109 [0] : vector<80x128xf32> to vector<128xf32>
      %broadcast_in_dim3A_111 = vector.shape_cast %reduce_max3A_110 : vector<128xf32> to vector<1x128xf32>
      %reduce_max3A_112 = arith.constant dense<0xFF800000> : vector<1xf32>
      %reduce_max3A_113 = vector.multi_reduction <maximumf>, %broadcast_in_dim3A_111, %reduce_max3A_112 [1] : vector<1x128xf32> to vector<1xf32>
      %broadcast_in_dim3A_114 = vector.shape_cast %reduce_max3A_113 : vector<1xf32> to vector<1x1xf32>
      %jit3A_115 = arith.constant -1.000000e+09 : f32
      %broadcast_in_dim3A_116 = vector.broadcast %jit3A_115 : f32 to vector<80x128xf32>
      %select_n3A_117 = arith.select %eq3A_96, %get3A_69, %broadcast_in_dim3A_116 : vector<80x128xi1>, vector<80x128xf32>
      %reduce_max3A_118 = arith.constant dense<0xFF800000> : vector<128xf32>
      %reduce_max3A_119 = vector.multi_reduction <maximumf>, %select_n3A_117, %reduce_max3A_118 [0] : vector<80x128xf32> to vector<128xf32>
      %broadcast_in_dim3A_120 = vector.shape_cast %reduce_max3A_119 : vector<128xf32> to vector<1x128xf32>
      %reduce_max3A_121 = arith.constant dense<0xFF800000> : vector<1xf32>
      %reduce_max3A_122 = vector.multi_reduction <maximumf>, %broadcast_in_dim3A_120, %reduce_max3A_121 [1] : vector<1x128xf32> to vector<1xf32>
      %broadcast_in_dim3A_123 = vector.shape_cast %reduce_max3A_122 : vector<1xf32> to vector<1x1xf32>
      %get3A_124 = arith.constant 0 : index
      %get3A_125 = arith.constant 0 : index
      %get3A_126 = vector.load %arg3[%get3A_124, %get3A_125] : memref<80x128xf32, #tpu.memory_space<vmem>>, vector<80x128xf32>
      %jit3A_127 = arith.constant -1.000000e+09 : f32
      %broadcast_in_dim3A_128 = vector.broadcast %jit3A_127 : f32 to vector<80x128xf32>
      %select_n3A_129 = arith.select %eq3A_96, %get3A_126, %broadcast_in_dim3A_128 : vector<80x128xi1>, vector<80x128xf32>
      %reduce_max3A_130 = arith.constant dense<0xFF800000> : vector<128xf32>
      %reduce_max3A_131 = vector.multi_reduction <maximumf>, %select_n3A_129, %reduce_max3A_130 [0] : vector<80x128xf32> to vector<128xf32>
      %broadcast_in_dim3A_132 = vector.shape_cast %reduce_max3A_131 : vector<128xf32> to vector<1x128xf32>
      %reduce_max3A_133 = arith.constant dense<0xFF800000> : vector<1xf32>
      %reduce_max3A_134 = vector.multi_reduction <maximumf>, %broadcast_in_dim3A_132, %reduce_max3A_133 [1] : vector<1x128xf32> to vector<1xf32>
      %broadcast_in_dim3A_135 = vector.shape_cast %reduce_max3A_134 : vector<1xf32> to vector<1x1xf32>
      %eq3A_136 = arith.constant 0 : i32
      %eq3A_137 = vector.broadcast %eq3A_136 : i32 to vector<1x128xi32>
      %eq3A_138 = arith.cmpi eq, %iota3A_3, %eq3A_137 : vector<1x128xi32>
      %eq3A_139 = arith.constant 1 : i32
      %eq3A_140 = vector.broadcast %eq3A_139 : i32 to vector<1x128xi32>
      %eq3A_141 = arith.cmpi eq, %iota3A_3, %eq3A_140 : vector<1x128xi32>
      %eq3A_142 = arith.constant 2 : i32
      %eq3A_143 = vector.broadcast %eq3A_142 : i32 to vector<1x128xi32>
      %eq3A_144 = arith.cmpi eq, %iota3A_3, %eq3A_143 : vector<1x128xi32>
      %eq3A_145 = arith.constant 3 : i32
      %eq3A_146 = vector.broadcast %eq3A_145 : i32 to vector<1x128xi32>
      %eq3A_147 = arith.cmpi eq, %iota3A_3, %eq3A_146 : vector<1x128xi32>
      %jit3A_148 = arith.constant 0.000000e+00 : f32
      %broadcast_in_dim3A_149 = vector.shape_cast %broadcast_in_dim3A_135 : vector<1x1xf32> to vector<1x1xf32>
      %broadcast_in_dim3A_150 = vector.broadcast %broadcast_in_dim3A_149 : vector<1x1xf32> to vector<1x128xf32>
      %broadcast_in_dim3A_151 = vector.broadcast %jit3A_148 : f32 to vector<1x128xf32>
      %select_n3A_152 = arith.select %eq3A_147, %broadcast_in_dim3A_150, %broadcast_in_dim3A_151 : vector<1x128xi1>, vector<1x128xf32>
      %broadcast_in_dim3A_153 = vector.shape_cast %broadcast_in_dim3A_123 : vector<1x1xf32> to vector<1x1xf32>
      %broadcast_in_dim3A_154 = vector.broadcast %broadcast_in_dim3A_153 : vector<1x1xf32> to vector<1x128xf32>
      %select_n3A_155 = arith.select %eq3A_144, %broadcast_in_dim3A_154, %select_n3A_152 : vector<1x128xi1>, vector<1x128xf32>
      %broadcast_in_dim3A_156 = vector.shape_cast %broadcast_in_dim3A_114 : vector<1x1xf32> to vector<1x1xf32>
      %broadcast_in_dim3A_157 = vector.broadcast %broadcast_in_dim3A_156 : vector<1x1xf32> to vector<1x128xf32>
      %select_n3A_158 = arith.select %eq3A_141, %broadcast_in_dim3A_157, %select_n3A_155 : vector<1x128xi1>, vector<1x128xf32>
      %broadcast_in_dim3A_159 = vector.shape_cast %broadcast_in_dim3A_105 : vector<1x1xf32> to vector<1x1xf32>
      %broadcast_in_dim3A_160 = vector.broadcast %broadcast_in_dim3A_159 : vector<1x1xf32> to vector<1x128xf32>
      %select_n3A_161 = arith.select %eq3A_138, %broadcast_in_dim3A_160, %select_n3A_158 : vector<1x128xi1>, vector<1x128xf32>
      %swap3A_162 = arith.index_cast %scan3A_56 : i32 to index
      %swap3A_163 = arith.constant 0 : index
      %swap3A_164 = vector.load %arg4[%swap3A_162, %swap3A_163] : memref<2560x128xf32, #tpu.memory_space<vmem>>, vector<1x128xf32>
      tpu.vector_store %arg4[%swap3A_162, %swap3A_163], %select_n3A_161 {strides = array<i32>} : memref<2560x128xf32, #tpu.memory_space<vmem>>, vector<1x128xf32>,
      scf.yield %min3A, %broadcast_in_dim3A_105, %broadcast_in_dim3A_114, %broadcast_in_dim3A_123 : vector<80x128xf32>, vector<1x1xf32>, vector<1x1xf32>, vector<1x1xf32>
    }
    %scan3A_55 = arith.constant 2499 : i32
    return
  }
}

module attributes {stable_mosaic.version = 14 : i64} {
  func.func @_feats_body(%arg0: i32, %arg1: memref<1024x256xf32, #tpu.memory_space<vmem>>, %arg2: memref<256x256xf32, #tpu.memory_space<vmem>>, %arg3: memref<8x256xf32, #tpu.memory_space<vmem>>, %arg4: memref<1024x128xf32, #tpu.memory_space<vmem>>, %arg5: memref<1024x128xf32, #tpu.memory_space<vmem>>) attributes {dimension_semantics = [#tpu.dimension_semantics<arbitrary>], iteration_bounds = array<i64: 10>, scalar_prefetch = 0 : i64, scratch_operands = 0 : i64, tpu.core_type = #tpu.core_type<tc>, window_params = [{transform_indices = @transform_0, window_bounds = array<i64: 1024, 256>}, {pipeline_mode = #tpu.pipeline_mode<synchronous>, transform_indices = @transform_1, window_bounds = array<i64: 256, 256>}, {pipeline_mode = #tpu.pipeline_mode<synchronous>, transform_indices = @transform_2, window_bounds = array<i64: 8, 256>}, {transform_indices = @transform_3, window_bounds = array<i64: 1024, 128>}, {transform_indices = @transform_4, window_bounds = array<i64: 1024, 128>}]} {
    %get3A = arith.constant 0 : index
    %get3A_0 = arith.constant 0 : index
    %get3A_1 = vector.load %arg1[%get3A, %get3A_0] : memref<1024x256xf32, #tpu.memory_space<vmem>>, vector<1024x256xf32>
    %get3A_2 = arith.constant 0 : index
    %get3A_3 = arith.constant 0 : index
    %get3A_4 = vector.load %arg2[%get3A_2, %get3A_3] : memref<256x256xf32, #tpu.memory_space<vmem>>, vector<256x256xf32>
    %dot_general3A = arith.constant dense<0.000000e+00> : vector<1024x256xf32>
    %dot_general3A_5 = tpu.matmul %get3A_1, %get3A_4, %dot_general3A {dimension_numbers = #tpu.dot_dimension_numbers<[1], [0], [0], [1], [0, 0, 1, 1], [], []>, transpose_lhs_hint = false} : vector<1024x256xf32>, vector<256x256xf32>, vector<1024x256xf32> -> vector<1024x256xf32>
    %get3A_6 = arith.constant 0 : index
    %get3A_7 = arith.constant 0 : index
    %get3A_8 = vector.load %arg3[%get3A_6, %get3A_7] : memref<8x256xf32, #tpu.memory_space<vmem>>, vector<1x256xf32>
    %add3A = vector.broadcast %get3A_8 : vector<1x256xf32> to vector<1024x256xf32>
    %add3A_9 = arith.addf %dot_general3A_5, %add3A : vector<1024x256xf32>
    %slice3A = vector.extract_strided_slice %add3A_9 {offsets = [0, 0], sizes = [1024, 128], strides = [1, 1]} : vector<1024x256xf32> to vector<1024x128xf32>
    %swap3A = arith.constant 0 : index
    %swap3A_10 = arith.constant 0 : index
    %swap3A_11 = vector.load %arg4[%swap3A, %swap3A_10] : memref<1024x128xf32, #tpu.memory_space<vmem>>, vector<1024x128xf32>
    tpu.vector_store %arg4[%swap3A, %swap3A_10], %slice3A {strides = array<i32>} : memref<1024x128xf32, #tpu.memory_space<vmem>>, vector<1024x128xf32>,
    %slice3A_12 = vector.extract_strided_slice %add3A_9 {offsets = [0, 128], sizes = [1024, 128], strides = [1, 1]} : vector<1024x256xf32> to vector<1024x128xf32>
    %swap3A_13 = arith.constant 0 : index
    %swap3A_14 = arith.constant 0 : index
    %swap3A_15 = vector.load %arg5[%swap3A_13, %swap3A_14] : memref<1024x128xf32, #tpu.memory_space<vmem>>, vector<1024x128xf32>
    tpu.vector_store %arg5[%swap3A_13, %swap3A_14], %slice3A_12 {strides = array<i32>} : memref<1024x128xf32, #tpu.memory_space<vmem>>, vector<1024x128xf32>,
    return
  }
  func.func @transform_0(%arg0: i32) -> (i32, i32) {
    %c0_i32 = arith.constant 0 : i32
    %c0_i32_0 = arith.constant 0 : i32
    return %arg0, %c0_i32 : i32, i32
  }
  func.func @transform_1(%arg0: i32) -> (i32, i32) {
    %c0_i32 = arith.constant 0 : i32
    %c0_i32_0 = arith.constant 0 : i32
    %c0_i32_1 = arith.constant 0 : i32
    return %c0_i32, %c0_i32_0 : i32, i32
  }
  func.func @transform_2(%arg0: i32) -> (i32, i32) {
    %c0_i32 = arith.constant 0 : i32
    %c0_i32_0 = arith.constant 0 : i32
    %c0_i32_1 = arith.constant 0 : i32
    return %c0_i32, %c0_i32_0 : i32, i32
  }
  func.func @transform_3(%arg0: i32) -> (i32, i32) {
    %c0_i32 = arith.constant 0 : i32
    %c0_i32_0 = arith.constant 0 : i32
    return %arg0, %c0_i32 : i32, i32
  }
  func.func @transform_4(%arg0: i32) -> (i32, i32) {
    %c0_i32 = arith.constant 0 : i32
    %c0_i32_0 = arith.constant 0 : i32
    return %arg0, %c0_i32 : i32, i32
  }
}

module attributes {stable_mosaic.version = 14 : i64} {
  func.func @_topk_body(%arg0: i32, %arg1: memref<8x10240xf32, #tpu.memory_space<vmem>>, %arg2: memref<128x128xf32, #tpu.memory_space<vmem>>, %arg3: memref<128x64xi32, #tpu.memory_space<vmem>>, %arg4: memref<128x128xf32, #tpu.memory_space<vmem>>, %arg5: memref<128x10240xf32, #tpu.memory_space<vmem>>) attributes {dimension_semantics = [#tpu.dimension_semantics<arbitrary>], iteration_bounds = array<i64: 20>, scalar_prefetch = 0 : i64, scratch_operands = 1 : i64, tpu.core_type = #tpu.core_type<tc>, window_params = [{pipeline_mode = #tpu.pipeline_mode<synchronous>, transform_indices = @transform_0, window_bounds = array<i64: 8, 10240>}, {transform_indices = @transform_1, window_bounds = array<i64: 128, 128>}, {transform_indices = @transform_2, window_bounds = array<i64: 128, 64>}, {transform_indices = @transform_3, window_bounds = array<i64: 128, 128>}]} {
    %get3A = arith.constant 0 : index
    %get3A_0 = arith.constant 0 : index
    %get3A_1 = vector.load %arg2[%get3A, %get3A_0] : memref<128x128xf32, #tpu.memory_space<vmem>>, vector<128x1xf32>
    %get3A_2 = arith.constant 0 : index
    %get3A_3 = arith.constant 1 : index
    %get3A_4 = vector.load %arg2[%get3A_2, %get3A_3] : memref<128x128xf32, #tpu.memory_space<vmem>>, vector<128x1xf32>
    %get3A_5 = arith.constant 0 : index
    %get3A_6 = arith.constant 2 : index
    %get3A_7 = vector.load %arg2[%get3A_5, %get3A_6] : memref<128x128xf32, #tpu.memory_space<vmem>>, vector<128x1xf32>
    %get3A_8 = arith.constant 0 : index
    %get3A_9 = arith.constant 0 : index
    %get3A_10 = vector.load %arg1[%get3A_8, %get3A_9] : memref<8x10240xf32, #tpu.memory_space<vmem>>, vector<1x10240xf32>
    %get3A_11 = arith.constant 1 : index
    %get3A_12 = arith.constant 0 : index
    %get3A_13 = vector.load %arg1[%get3A_11, %get3A_12] : memref<8x10240xf32, #tpu.memory_space<vmem>>, vector<1x10240xf32>
    %get3A_14 = arith.constant 2 : index
    %get3A_15 = arith.constant 0 : index
    %get3A_16 = vector.load %arg1[%get3A_14, %get3A_15] : memref<8x10240xf32, #tpu.memory_space<vmem>>, vector<1x10240xf32>
    %sub3A = vector.broadcast %get3A_10 : vector<1x10240xf32> to vector<128x10240xf32>
    %sub3A_17 = vector.broadcast %get3A_1 : vector<128x1xf32> to vector<128x10240xf32>
    %sub3A_18 = arith.subf %sub3A, %sub3A_17 : vector<128x10240xf32>
    %sub3A_19 = vector.broadcast %get3A_13 : vector<1x10240xf32> to vector<128x10240xf32>
    %sub3A_20 = vector.broadcast %get3A_4 : vector<128x1xf32> to vector<128x10240xf32>
    %sub3A_21 = arith.subf %sub3A_19, %sub3A_20 : vector<128x10240xf32>
    %sub3A_22 = vector.broadcast %get3A_16 : vector<1x10240xf32> to vector<128x10240xf32>
    %sub3A_23 = vector.broadcast %get3A_7 : vector<128x1xf32> to vector<128x10240xf32>
    %sub3A_24 = arith.subf %sub3A_22, %sub3A_23 : vector<128x10240xf32>
    %mul3A = arith.mulf %sub3A_18, %sub3A_18 : vector<128x10240xf32>
    %mul3A_25 = arith.mulf %sub3A_21, %sub3A_21 : vector<128x10240xf32>
    %add3A = arith.addf %mul3A, %mul3A_25 : vector<128x10240xf32>
    %mul3A_26 = arith.mulf %sub3A_24, %sub3A_24 : vector<128x10240xf32>
    %add3A_27 = arith.addf %add3A, %mul3A_26 : vector<128x10240xf32>
    %iota3A = tpu.iota {dimensions = array<i32: 1>} : vector<128x10240xi32>
    %convert_element_type3A = arith.sitofp %iota3A : vector<128x10240xi32> to vector<128x10240xf32>
    %le3A = arith.constant 1.600000e-01 : f32
    %le3A_28 = vector.broadcast %le3A : f32 to vector<128x10240xf32>
    %le3A_29 = arith.cmpf ole, %add3A_27, %le3A_28 : vector<128x10240xf32>
    %lt3A = arith.constant 1.000000e+04 : f32
    %lt3A_30 = vector.broadcast %lt3A : f32 to vector<128x10240xf32>
    %lt3A_31 = arith.cmpf olt, %convert_element_type3A, %lt3A_30 : vector<128x10240xf32>
    %and3A = arith.andi %le3A_29, %lt3A_31 : vector<128x10240xi1>
    %jit3A = arith.constant 0x7F800000 : f32
    %broadcast_in_dim3A = vector.broadcast %jit3A : f32 to vector<128x10240xf32>
    %select_n3A = arith.select %and3A, %add3A_27, %broadcast_in_dim3A : vector<128x10240xi1>, vector<128x10240xf32>
    %swap3A = arith.constant 0 : index
    %swap3A_32 = arith.constant 0 : index
    %swap3A_33 = vector.load %arg5[%swap3A, %swap3A_32] : memref<128x10240xf32, #tpu.memory_space<vmem>>, vector<128x10240xf32>
    tpu.vector_store %arg5[%swap3A, %swap3A_32], %select_n3A {strides = array<i32>} : memref<128x10240xf32, #tpu.memory_space<vmem>>, vector<128x10240xf32>,
    %iota3A_34 = tpu.iota {dimensions = array<i32: 1>} : vector<128x64xi32>
    %broadcast_in_dim3A_35 = arith.constant 0.000000e+00 : f32
    %broadcast_in_dim3A_36 = vector.broadcast %broadcast_in_dim3A_35 : f32 to vector<128x64xf32>
    %broadcast_in_dim3A_37 = arith.constant 0.000000e+00 : f32
    %broadcast_in_dim3A_38 = vector.broadcast %broadcast_in_dim3A_37 : f32 to vector<128x1xf32>
    %sub3A_39 = arith.constant 1.000000e+00 : f32
    %sub3A_40 = vector.broadcast %sub3A_39 : f32 to vector<128x1xf32>
    %sub3A_41 = arith.subf %broadcast_in_dim3A_38, %sub3A_40 : vector<128x1xf32>
    %sub3A_42 = arith.constant 1.000000e+00 : f32
    %sub3A_43 = vector.broadcast %sub3A_42 : f32 to vector<128x1xf32>
    %sub3A_44 = arith.subf %broadcast_in_dim3A_38, %sub3A_43 : vector<128x1xf32>
    %scan3A = arith.constant 0 : i32
    %scan3A_45 = arith.constant 64 : i32
    %scan3A_46 = arith.addi %scan3A, %scan3A_45 : i32
    %scan3A_47 = arith.constant 1 : i32
    %scan3A_48:4 = scf.for %scan3A_59 = %scan3A to %scan3A_46 step %scan3A_47 iter_args(%scan3A_60 = %broadcast_in_dim3A_36, %scan3A_61 = %broadcast_in_dim3A_38, %scan3A_62 = %sub3A_41, %scan3A_63 = %sub3A_44) -> (vector<128x64xf32>, vector<128x1xf32>, vector<128x1xf32>, vector<128x1xf32>)  : i32 {
      %get3A_64 = arith.constant 0 : index
      %get3A_65 = arith.constant 0 : index
      %get3A_66 = vector.load %arg5[%get3A_64, %get3A_65] : memref<128x10240xf32, #tpu.memory_space<vmem>>, vector<128x10240xf32>
      %gt3A = vector.broadcast %scan3A_62 : vector<128x1xf32> to vector<128x10240xf32>
      %gt3A_67 = arith.cmpf ogt, %get3A_66, %gt3A : vector<128x10240xf32>
      %eq3A = vector.broadcast %scan3A_62 : vector<128x1xf32> to vector<128x10240xf32>
      %eq3A_68 = arith.cmpf oeq, %get3A_66, %eq3A : vector<128x10240xf32>
      %gt3A_69 = vector.broadcast %scan3A_63 : vector<128x1xf32> to vector<128x10240xf32>
      %gt3A_70 = arith.cmpf ogt, %convert_element_type3A, %gt3A_69 : vector<128x10240xf32>
      %and3A_71 = arith.andi %eq3A_68, %gt3A_70 : vector<128x10240xi1>
      %or3A = arith.ori %gt3A_67, %and3A_71 : vector<128x10240xi1>
      %jit3A_72 = arith.constant 0x7F800000 : f32
      %broadcast_in_dim3A_73 = vector.broadcast %jit3A_72 : f32 to vector<128x10240xf32>
      %select_n3A_74 = arith.select %or3A, %get3A_66, %broadcast_in_dim3A_73 : vector<128x10240xi1>, vector<128x10240xf32>
      %reduce_min3A = arith.constant dense<0x7F800000> : vector<128xf32>
      %reduce_min3A_75 = vector.multi_reduction <minimumf>, %select_n3A_74, %reduce_min3A [1] : vector<128x10240xf32> to vector<128xf32>
      %broadcast_in_dim3A_76 = vector.shape_cast %reduce_min3A_75 : vector<128xf32> to vector<128x1xf32>
      %le3A_77 = arith.constant 1.600000e-01 : f32
      %le3A_78 = vector.broadcast %le3A_77 : f32 to vector<128x1xf32>
      %le3A_79 = arith.cmpf ole, %broadcast_in_dim3A_76, %le3A_78 : vector<128x1xf32>
      %eq3A_80 = vector.broadcast %broadcast_in_dim3A_76 : vector<128x1xf32> to vector<128x10240xf32>
      %eq3A_81 = arith.cmpf oeq, %select_n3A_74, %eq3A_80 : vector<128x10240xf32>
      %jit3A_82 = arith.constant 1.000000e+09 : f32
      %broadcast_in_dim3A_83 = vector.broadcast %jit3A_82 : f32 to vector<128x10240xf32>
      %select_n3A_84 = arith.select %eq3A_81, %convert_element_type3A, %broadcast_in_dim3A_83 : vector<128x10240xi1>, vector<128x10240xf32>
      %reduce_min3A_85 = arith.constant dense<0x7F800000> : vector<128xf32>
      %reduce_min3A_86 = vector.multi_reduction <minimumf>, %select_n3A_84, %reduce_min3A_85 [1] : vector<128x10240xf32> to vector<128xf32>
      %broadcast_in_dim3A_87 = vector.shape_cast %reduce_min3A_86 : vector<128xf32> to vector<128x1xf32>
      %jit3A_88 = arith.constant 0.000000e+00 : f32
      %broadcast_in_dim3A_89 = vector.broadcast %jit3A_88 : f32 to vector<128x1xf32>
      %select_n3A_90 = arith.select %le3A_79, %broadcast_in_dim3A_87, %broadcast_in_dim3A_89 : vector<128x1xi1>, vector<128x1xf32>
      %eq3A_91 = vector.broadcast %scan3A_59 : i32 to vector<128x64xi32>
      %eq3A_92 = arith.cmpi eq, %iota3A_34, %eq3A_91 : vector<128x64xi32>
      %jit3A_93 = arith.constant 0.000000e+00 : f32
      %broadcast_in_dim3A_94 = vector.shape_cast %select_n3A_90 : vector<128x1xf32> to vector<128x1xf32>
      %broadcast_in_dim3A_95 = vector.broadcast %broadcast_in_dim3A_94 : vector<128x1xf32> to vector<128x64xf32>
      %broadcast_in_dim3A_96 = vector.broadcast %jit3A_93 : f32 to vector<128x64xf32>
      %select_n3A_97 = arith.select %eq3A_92, %broadcast_in_dim3A_95, %broadcast_in_dim3A_96 : vector<128x64xi1>, vector<128x64xf32>
      %add3A_98 = arith.addf %scan3A_60, %select_n3A_97 : vector<128x64xf32>
      %jit3A_99 = arith.constant 1.000000e+00 : f32
      %jit3A_100 = arith.constant 0.000000e+00 : f32
      %broadcast_in_dim3A_101 = vector.broadcast %jit3A_99 : f32 to vector<128x1xf32>
      %broadcast_in_dim3A_102 = vector.broadcast %jit3A_100 : f32 to vector<128x1xf32>
      %select_n3A_103 = arith.select %le3A_79, %broadcast_in_dim3A_101, %broadcast_in_dim3A_102 : vector<128x1xi1>, vector<128x1xf32>
      %add3A_104 = arith.addf %scan3A_61, %select_n3A_103 : vector<128x1xf32>
      %select_n3A_105 = arith.select %le3A_79, %broadcast_in_dim3A_76, %scan3A_62 : vector<128x1xi1>, vector<128x1xf32>
      %select_n3A_106 = arith.select %le3A_79, %select_n3A_90, %scan3A_63 : vector<128x1xi1>, vector<128x1xf32>
      scf.yield %add3A_98, %add3A_104, %select_n3A_105, %select_n3A_106 : vector<128x64xf32>, vector<128x1xf32>, vector<128x1xf32>, vector<128x1xf32>
    }
    %scan3A_49 = arith.constant 64 : i32
    %convert_element_type3A_50 = arith.fptosi %scan3A_48#0 : vector<128x64xf32> to vector<128x64xi32>
    %swap3A_51 = arith.constant 0 : index
    %swap3A_52 = arith.constant 0 : index
    %swap3A_53 = vector.load %arg3[%swap3A_51, %swap3A_52] : memref<128x64xi32, #tpu.memory_space<vmem>>, vector<128x64xi32>
    tpu.vector_store %arg3[%swap3A_51, %swap3A_52], %convert_element_type3A_50 {strides = array<i32>} : memref<128x64xi32, #tpu.memory_space<vmem>>, vector<128x64xi32>,
    %broadcast_in_dim3A_54 = vector.shape_cast %scan3A_48#1 : vector<128x1xf32> to vector<128x1xf32>
    %broadcast_in_dim3A_55 = vector.broadcast %broadcast_in_dim3A_54 : vector<128x1xf32> to vector<128x128xf32>
    %swap3A_56 = arith.constant 0 : index
    %swap3A_57 = arith.constant 0 : index
    %swap3A_58 = vector.load %arg4[%swap3A_56, %swap3A_57] : memref<128x128xf32, #tpu.memory_space<vmem>>, vector<128x128xf32>
    tpu.vector_store %arg4[%swap3A_56, %swap3A_57], %broadcast_in_dim3A_55 {strides = array<i32>} : memref<128x128xf32, #tpu.memory_space<vmem>>, vector<128x128xf32>,
    return
  }
  func.func @transform_0(%arg0: i32) -> (i32, i32) {
    %c0_i32 = arith.constant 0 : i32
    %c0_i32_0 = arith.constant 0 : i32
    %c0_i32_1 = arith.constant 0 : i32
    return %c0_i32, %c0_i32_0 : i32, i32
  }
  func.func @transform_1(%arg0: i32) -> (i32, i32) {
    %c0_i32 = arith.constant 0 : i32
    %c0_i32_0 = arith.constant 0 : i32
    return %arg0, %c0_i32 : i32, i32
  }
  func.func @transform_2(%arg0: i32) -> (i32, i32) {
    %c0_i32 = arith.constant 0 : i32
    %c0_i32_0 = arith.constant 0 : i32
    return %arg0, %c0_i32 : i32, i32
  }
  func.func @transform_3(%arg0: i32) -> (i32, i32) {
    %c0_i32 = arith.constant 0 : i32
    %c0_i32_0 = arith.constant 0 : i32
    return %arg0, %c0_i32 : i32, i32
  }
}

module attributes {stable_mosaic.version = 14 : i64} {
  func.func @_conv_body(%arg0: i32, %arg1: memref<1024x128xf32, #tpu.memory_space<vmem>>, %arg2: memref<32x128xf32, #tpu.memory_space<vmem>>, %arg3: memref<32x128xf32, #tpu.memory_space<vmem>>, %arg4: memref<8x128xf32, #tpu.memory_space<vmem>>, %arg5: memref<128x128xf32, #tpu.memory_space<vmem>>, %arg6: memref<8x128xf32, #tpu.memory_space<vmem>>, %arg7: memref<32x128xf32, #tpu.memory_space<vmem>>) attributes {dimension_semantics = [#tpu.dimension_semantics<arbitrary>], iteration_bounds = array<i64: 80>, scalar_prefetch = 0 : i64, scratch_operands = 0 : i64, tpu.core_type = #tpu.core_type<tc>, window_params = [{transform_indices = @transform_0, window_bounds = array<i64: 1024, 128>}, {transform_indices = @transform_1, window_bounds = array<i64: 32, 128>}, {transform_indices = @transform_2, window_bounds = array<i64: 32, 128>}, {pipeline_mode = #tpu.pipeline_mode<synchronous>, transform_indices = @transform_3, window_bounds = array<i64: 8, 128>}, {pipeline_mode = #tpu.pipeline_mode<synchronous>, transform_indices = @transform_4, window_bounds = array<i64: 128, 128>}, {pipeline_mode = #tpu.pipeline_mode<synchronous>, transform_indices = @transform_5, window_bounds = array<i64: 8, 128>}, {transform_indices = @transform_6, window_bounds = array<i64: 32, 128>}]} {
    %get3A = arith.constant 0 : index
    %get3A_0 = arith.constant 0 : index
    %get3A_1 = vector.load %arg3[%get3A, %get3A_0] : memref<32x128xf32, #tpu.memory_space<vmem>>, vector<32x1xf32>
    %get3A_2 = arith.constant 0 : index
    %get3A_3 = arith.constant 1 : index
    %get3A_4 = vector.load %arg3[%get3A_2, %get3A_3] : memref<32x128xf32, #tpu.memory_space<vmem>>, vector<32x1xf32>
    %get3A_5 = arith.constant 0 : index
    %get3A_6 = arith.constant 2 : index
    %get3A_7 = vector.load %arg3[%get3A_5, %get3A_6] : memref<32x128xf32, #tpu.memory_space<vmem>>, vector<32x1xf32>
    %get3A_8 = arith.constant 0 : index
    %get3A_9 = arith.constant 0 : index
    %get3A_10 = vector.load %arg4[%get3A_8, %get3A_9] : memref<8x128xf32, #tpu.memory_space<vmem>>, vector<1x128xf32>
    %mul3A = vector.broadcast %get3A_1 : vector<32x1xf32> to vector<32x128xf32>
    %mul3A_11 = vector.broadcast %get3A_10 : vector<1x128xf32> to vector<32x128xf32>
    %mul3A_12 = arith.mulf %mul3A, %mul3A_11 : vector<32x128xf32>
    %get3A_13 = arith.constant 1 : index
    %get3A_14 = arith.constant 0 : index
    %get3A_15 = vector.load %arg4[%get3A_13, %get3A_14] : memref<8x128xf32, #tpu.memory_space<vmem>>, vector<1x128xf32>
    %mul3A_16 = vector.broadcast %get3A_4 : vector<32x1xf32> to vector<32x128xf32>
    %mul3A_17 = vector.broadcast %get3A_15 : vector<1x128xf32> to vector<32x128xf32>
    %mul3A_18 = arith.mulf %mul3A_16, %mul3A_17 : vector<32x128xf32>
    %add3A = arith.addf %mul3A_12, %mul3A_18 : vector<32x128xf32>
    %get3A_19 = arith.constant 2 : index
    %get3A_20 = arith.constant 0 : index
    %get3A_21 = vector.load %arg4[%get3A_19, %get3A_20] : memref<8x128xf32, #tpu.memory_space<vmem>>, vector<1x128xf32>
    %mul3A_22 = vector.broadcast %get3A_7 : vector<32x1xf32> to vector<32x128xf32>
    %mul3A_23 = vector.broadcast %get3A_21 : vector<1x128xf32> to vector<32x128xf32>
    %mul3A_24 = arith.mulf %mul3A_22, %mul3A_23 : vector<32x128xf32>
    %add3A_25 = arith.addf %add3A, %mul3A_24 : vector<32x128xf32>
    %broadcast_in_dim3A = vector.shape_cast %add3A_25 : vector<32x128xf32> to vector<32x1x128xf32>
    %broadcast_in_dim3A_26 = vector.broadcast %broadcast_in_dim3A : vector<32x1x128xf32> to vector<32x32x128xf32>
    %get3A_27 = arith.constant 0 : index
    %get3A_28 = arith.constant 0 : index
    %get3A_29 = vector.load %arg1[%get3A_27, %get3A_28] : memref<1024x128xf32, #tpu.memory_space<vmem>>, vector<1024x128xf32>
    %reshape3A = vector.shape_cast %get3A_29 : vector<1024x128xf32> to vector<32x32x128xf32>
    %sub3A = arith.subf %reshape3A, %broadcast_in_dim3A_26 : vector<32x32x128xf32>
    %max3A = arith.constant 0.000000e+00 : f32
    %max3A_30 = vector.broadcast %max3A : f32 to vector<32x32x128xf32>
    %max3A_31 = arith.maximumf %sub3A, %max3A_30 : vector<32x32x128xf32>
    %reshape3A_32 = vector.shape_cast %max3A_31 : vector<32x32x128xf32> to vector<1024x128xf32>
    %get3A_33 = arith.constant 0 : index
    %get3A_34 = arith.constant 0 : index
    %get3A_35 = vector.load %arg5[%get3A_33, %get3A_34] : memref<128x128xf32, #tpu.memory_space<vmem>>, vector<128x128xf32>
    %dot_general3A = arith.constant dense<0.000000e+00> : vector<1024x128xf32>
    %dot_general3A_36 = tpu.matmul %reshape3A_32, %get3A_35, %dot_general3A {dimension_numbers = #tpu.dot_dimension_numbers<[1], [0], [0], [1], [0, 0, 1, 1], [], []>, transpose_lhs_hint = false} : vector<1024x128xf32>, vector<128x128xf32>, vector<1024x128xf32> -> vector<1024x128xf32>
    %get3A_37 = arith.constant 0 : index
    %get3A_38 = arith.constant 0 : index
    %get3A_39 = vector.load %arg6[%get3A_37, %get3A_38] : memref<8x128xf32, #tpu.memory_space<vmem>>, vector<1x128xf32>
    %add3A_40 = vector.broadcast %get3A_39 : vector<1x128xf32> to vector<1024x128xf32>
    %add3A_41 = arith.addf %dot_general3A_36, %add3A_40 : vector<1024x128xf32>
    %max3A_42 = arith.constant 0.000000e+00 : f32
    %max3A_43 = vector.broadcast %max3A_42 : f32 to vector<1024x128xf32>
    %max3A_44 = arith.maximumf %add3A_41, %max3A_43 : vector<1024x128xf32>
    %reshape3A_45 = vector.shape_cast %max3A_44 : vector<1024x128xf32> to vector<32x32x128xf32>
    %iota3A = tpu.iota {dimensions = array<i32: 1>} : vector<32x32x128xi32>
    %convert_element_type3A = arith.sitofp %iota3A : vector<32x32x128xi32> to vector<32x32x128xf32>
    %get3A_46 = arith.constant 0 : index
    %get3A_47 = arith.constant 0 : index
    %get3A_48 = vector.load %arg2[%get3A_46, %get3A_47] : memref<32x128xf32, #tpu.memory_space<vmem>>, vector<32x1xf32>
    %broadcast_in_dim3A_49 = vector.shape_cast %get3A_48 : vector<32x1xf32> to vector<32x1x1xf32>
    %broadcast_in_dim3A_50 = vector.broadcast %broadcast_in_dim3A_49 : vector<32x1x1xf32> to vector<32x32x128xf32>
    %lt3A = arith.cmpf olt, %convert_element_type3A, %broadcast_in_dim3A_50 : vector<32x32x128xf32>
    %jit3A = arith.constant 0.000000e+00 : f32
    %broadcast_in_dim3A_51 = vector.broadcast %jit3A : f32 to vector<32x32x128xf32>
    %select_n3A = arith.select %lt3A, %reshape3A_45, %broadcast_in_dim3A_51 : vector<32x32x128xi1>, vector<32x32x128xf32>
    %reduce_max3A = arith.constant dense<0xFF800000> : vector<32x128xf32>
    %reduce_max3A_52 = vector.multi_reduction <maximumf>, %select_n3A, %reduce_max3A [1] : vector<32x32x128xf32> to vector<32x128xf32>
    %swap3A = arith.constant 0 : index
    %swap3A_53 = arith.constant 0 : index
    %swap3A_54 = vector.load %arg7[%swap3A, %swap3A_53] : memref<32x128xf32, #tpu.memory_space<vmem>>, vector<32x128xf32>
    tpu.vector_store %arg7[%swap3A, %swap3A_53], %reduce_max3A_52 {strides = array<i32>} : memref<32x128xf32, #tpu.memory_space<vmem>>, vector<32x128xf32>,
    return
  }
  func.func @transform_0(%arg0: i32) -> (i32, i32) {
    %c0_i32 = arith.constant 0 : i32
    %c0_i32_0 = arith.constant 0 : i32
    return %arg0, %c0_i32 : i32, i32
  }
  func.func @transform_1(%arg0: i32) -> (i32, i32) {
    %c0_i32 = arith.constant 0 : i32
    %c0_i32_0 = arith.constant 0 : i32
    return %arg0, %c0_i32 : i32, i32
  }
  func.func @transform_2(%arg0: i32) -> (i32, i32) {
    %c0_i32 = arith.constant 0 : i32
    %c0_i32_0 = arith.constant 0 : i32
    return %arg0, %c0_i32 : i32, i32
  }
  func.func @transform_3(%arg0: i32) -> (i32, i32) {
    %c0_i32 = arith.constant 0 : i32
    %c0_i32_0 = arith.constant 0 : i32
    %c0_i32_1 = arith.constant 0 : i32
    return %c0_i32, %c0_i32_0 : i32, i32
  }
  func.func @transform_4(%arg0: i32) -> (i32, i32) {
    %c0_i32 = arith.constant 0 : i32
    %c0_i32_0 = arith.constant 0 : i32
    %c0_i32_1 = arith.constant 0 : i32
    return %c0_i32, %c0_i32_0 : i32, i32
  }
  func.func @transform_5(%arg0: i32) -> (i32, i32) {
    %c0_i32 = arith.constant 0 : i32
    %c0_i32_0 = arith.constant 0 : i32
    %c0_i32_1 = arith.constant 0 : i32
    return %c0_i32, %c0_i32_0 : i32, i32
  }
  func.func @transform_6(%arg0: i32) -> (i32, i32) {
    %c0_i32 = arith.constant 0 : i32
    %c0_i32_0 = arith.constant 0 : i32
    return %arg0, %c0_i32 : i32, i32
  }
}

module attributes {stable_mosaic.version = 14 : i64} {
  func.func @_conv_body(%arg0: i32, %arg1: memref<1024x128xf32, #tpu.memory_space<vmem>>, %arg2: memref<16x128xf32, #tpu.memory_space<vmem>>, %arg3: memref<16x128xf32, #tpu.memory_space<vmem>>, %arg4: memref<8x128xf32, #tpu.memory_space<vmem>>, %arg5: memref<128x128xf32, #tpu.memory_space<vmem>>, %arg6: memref<8x128xf32, #tpu.memory_space<vmem>>, %arg7: memref<16x128xf32, #tpu.memory_space<vmem>>) attributes {dimension_semantics = [#tpu.dimension_semantics<arbitrary>], iteration_bounds = array<i64: 160>, scalar_prefetch = 0 : i64, scratch_operands = 0 : i64, tpu.core_type = #tpu.core_type<tc>, window_params = [{transform_indices = @transform_0, window_bounds = array<i64: 1024, 128>}, {transform_indices = @transform_1, window_bounds = array<i64: 16, 128>}, {transform_indices = @transform_2, window_bounds = array<i64: 16, 128>}, {pipeline_mode = #tpu.pipeline_mode<synchronous>, transform_indices = @transform_3, window_bounds = array<i64: 8, 128>}, {pipeline_mode = #tpu.pipeline_mode<synchronous>, transform_indices = @transform_4, window_bounds = array<i64: 128, 128>}, {pipeline_mode = #tpu.pipeline_mode<synchronous>, transform_indices = @transform_5, window_bounds = array<i64: 8, 128>}, {transform_indices = @transform_6, window_bounds = array<i64: 16, 128>}]} {
    %get3A = arith.constant 0 : index
    %get3A_0 = arith.constant 0 : index
    %get3A_1 = vector.load %arg3[%get3A, %get3A_0] : memref<16x128xf32, #tpu.memory_space<vmem>>, vector<16x1xf32>
    %get3A_2 = arith.constant 0 : index
    %get3A_3 = arith.constant 1 : index
    %get3A_4 = vector.load %arg3[%get3A_2, %get3A_3] : memref<16x128xf32, #tpu.memory_space<vmem>>, vector<16x1xf32>
    %get3A_5 = arith.constant 0 : index
    %get3A_6 = arith.constant 2 : index
    %get3A_7 = vector.load %arg3[%get3A_5, %get3A_6] : memref<16x128xf32, #tpu.memory_space<vmem>>, vector<16x1xf32>
    %get3A_8 = arith.constant 0 : index
    %get3A_9 = arith.constant 0 : index
    %get3A_10 = vector.load %arg4[%get3A_8, %get3A_9] : memref<8x128xf32, #tpu.memory_space<vmem>>, vector<1x128xf32>
    %mul3A = vector.broadcast %get3A_1 : vector<16x1xf32> to vector<16x128xf32>
    %mul3A_11 = vector.broadcast %get3A_10 : vector<1x128xf32> to vector<16x128xf32>
    %mul3A_12 = arith.mulf %mul3A, %mul3A_11 : vector<16x128xf32>
    %get3A_13 = arith.constant 1 : index
    %get3A_14 = arith.constant 0 : index
    %get3A_15 = vector.load %arg4[%get3A_13, %get3A_14] : memref<8x128xf32, #tpu.memory_space<vmem>>, vector<1x128xf32>
    %mul3A_16 = vector.broadcast %get3A_4 : vector<16x1xf32> to vector<16x128xf32>
    %mul3A_17 = vector.broadcast %get3A_15 : vector<1x128xf32> to vector<16x128xf32>
    %mul3A_18 = arith.mulf %mul3A_16, %mul3A_17 : vector<16x128xf32>
    %add3A = arith.addf %mul3A_12, %mul3A_18 : vector<16x128xf32>
    %get3A_19 = arith.constant 2 : index
    %get3A_20 = arith.constant 0 : index
    %get3A_21 = vector.load %arg4[%get3A_19, %get3A_20] : memref<8x128xf32, #tpu.memory_space<vmem>>, vector<1x128xf32>
    %mul3A_22 = vector.broadcast %get3A_7 : vector<16x1xf32> to vector<16x128xf32>
    %mul3A_23 = vector.broadcast %get3A_21 : vector<1x128xf32> to vector<16x128xf32>
    %mul3A_24 = arith.mulf %mul3A_22, %mul3A_23 : vector<16x128xf32>
    %add3A_25 = arith.addf %add3A, %mul3A_24 : vector<16x128xf32>
    %broadcast_in_dim3A = vector.shape_cast %add3A_25 : vector<16x128xf32> to vector<16x1x128xf32>
    %broadcast_in_dim3A_26 = vector.broadcast %broadcast_in_dim3A : vector<16x1x128xf32> to vector<16x64x128xf32>
    %get3A_27 = arith.constant 0 : index
    %get3A_28 = arith.constant 0 : index
    %get3A_29 = vector.load %arg1[%get3A_27, %get3A_28] : memref<1024x128xf32, #tpu.memory_space<vmem>>, vector<1024x128xf32>
    %reshape3A = vector.shape_cast %get3A_29 : vector<1024x128xf32> to vector<16x64x128xf32>
    %sub3A = arith.subf %reshape3A, %broadcast_in_dim3A_26 : vector<16x64x128xf32>
    %max3A = arith.constant 0.000000e+00 : f32
    %max3A_30 = vector.broadcast %max3A : f32 to vector<16x64x128xf32>
    %max3A_31 = arith.maximumf %sub3A, %max3A_30 : vector<16x64x128xf32>
    %reshape3A_32 = vector.shape_cast %max3A_31 : vector<16x64x128xf32> to vector<1024x128xf32>
    %get3A_33 = arith.constant 0 : index
    %get3A_34 = arith.constant 0 : index
    %get3A_35 = vector.load %arg5[%get3A_33, %get3A_34] : memref<128x128xf32, #tpu.memory_space<vmem>>, vector<128x128xf32>
    %dot_general3A = arith.constant dense<0.000000e+00> : vector<1024x128xf32>
    %dot_general3A_36 = tpu.matmul %reshape3A_32, %get3A_35, %dot_general3A {dimension_numbers = #tpu.dot_dimension_numbers<[1], [0], [0], [1], [0, 0, 1, 1], [], []>, transpose_lhs_hint = false} : vector<1024x128xf32>, vector<128x128xf32>, vector<1024x128xf32> -> vector<1024x128xf32>
    %get3A_37 = arith.constant 0 : index
    %get3A_38 = arith.constant 0 : index
    %get3A_39 = vector.load %arg6[%get3A_37, %get3A_38] : memref<8x128xf32, #tpu.memory_space<vmem>>, vector<1x128xf32>
    %add3A_40 = vector.broadcast %get3A_39 : vector<1x128xf32> to vector<1024x128xf32>
    %add3A_41 = arith.addf %dot_general3A_36, %add3A_40 : vector<1024x128xf32>
    %max3A_42 = arith.constant 0.000000e+00 : f32
    %max3A_43 = vector.broadcast %max3A_42 : f32 to vector<1024x128xf32>
    %max3A_44 = arith.maximumf %add3A_41, %max3A_43 : vector<1024x128xf32>
    %reshape3A_45 = vector.shape_cast %max3A_44 : vector<1024x128xf32> to vector<16x64x128xf32>
    %iota3A = tpu.iota {dimensions = array<i32: 1>} : vector<16x64x128xi32>
    %convert_element_type3A = arith.sitofp %iota3A : vector<16x64x128xi32> to vector<16x64x128xf32>
    %get3A_46 = arith.constant 0 : index
    %get3A_47 = arith.constant 0 : index
    %get3A_48 = vector.load %arg2[%get3A_46, %get3A_47] : memref<16x128xf32, #tpu.memory_space<vmem>>, vector<16x1xf32>
    %broadcast_in_dim3A_49 = vector.shape_cast %get3A_48 : vector<16x1xf32> to vector<16x1x1xf32>
    %broadcast_in_dim3A_50 = vector.broadcast %broadcast_in_dim3A_49 : vector<16x1x1xf32> to vector<16x64x128xf32>
    %lt3A = arith.cmpf olt, %convert_element_type3A, %broadcast_in_dim3A_50 : vector<16x64x128xf32>
    %jit3A = arith.constant 0.000000e+00 : f32
    %broadcast_in_dim3A_51 = vector.broadcast %jit3A : f32 to vector<16x64x128xf32>
    %select_n3A = arith.select %lt3A, %reshape3A_45, %broadcast_in_dim3A_51 : vector<16x64x128xi1>, vector<16x64x128xf32>
    %reduce_max3A = arith.constant dense<0xFF800000> : vector<16x128xf32>
    %reduce_max3A_52 = vector.multi_reduction <maximumf>, %select_n3A, %reduce_max3A [1] : vector<16x64x128xf32> to vector<16x128xf32>
    %swap3A = arith.constant 0 : index
    %swap3A_53 = arith.constant 0 : index
    %swap3A_54 = vector.load %arg7[%swap3A, %swap3A_53] : memref<16x128xf32, #tpu.memory_space<vmem>>, vector<16x128xf32>
    tpu.vector_store %arg7[%swap3A, %swap3A_53], %reduce_max3A_52 {strides = array<i32>} : memref<16x128xf32, #tpu.memory_space<vmem>>, vector<16x128xf32>,
    return
  }
  func.func @transform_0(%arg0: i32) -> (i32, i32) {
    %c0_i32 = arith.constant 0 : i32
    %c0_i32_0 = arith.constant 0 : i32
    return %arg0, %c0_i32 : i32, i32
  }
  func.func @transform_1(%arg0: i32) -> (i32, i32) {
    %c0_i32 = arith.constant 0 : i32
    %c0_i32_0 = arith.constant 0 : i32
    return %arg0, %c0_i32 : i32, i32
  }
  func.func @transform_2(%arg0: i32) -> (i32, i32) {
    %c0_i32 = arith.constant 0 : i32
    %c0_i32_0 = arith.constant 0 : i32
    return %arg0, %c0_i32 : i32, i32
  }
  func.func @transform_3(%arg0: i32) -> (i32, i32) {
    %c0_i32 = arith.constant 0 : i32
    %c0_i32_0 = arith.constant 0 : i32
    %c0_i32_1 = arith.constant 0 : i32
    return %c0_i32, %c0_i32_0 : i32, i32
  }
  func.func @transform_4(%arg0: i32) -> (i32, i32) {
    %c0_i32 = arith.constant 0 : i32
    %c0_i32_0 = arith.constant 0 : i32
    %c0_i32_1 = arith.constant 0 : i32
    return %c0_i32, %c0_i32_0 : i32, i32
  }
  func.func @transform_5(%arg0: i32) -> (i32, i32) {
    %c0_i32 = arith.constant 0 : i32
    %c0_i32_0 = arith.constant 0 : i32
    %c0_i32_1 = arith.constant 0 : i32
    return %c0_i32, %c0_i32_0 : i32, i32
  }
  func.func @transform_6(%arg0: i32) -> (i32, i32) {
    %c0_i32 = arith.constant 0 : i32
    %c0_i32_0 = arith.constant 0 : i32
    return %arg0, %c0_i32 : i32, i32
  }
}

</mosaic_0001>

<sc_bundles>
// kernel: kernel.10.cloned.1.call-start
scs
__scs_entry_jumppad:
0x0: {  	(pc) =	sbr.rel $0x88, $3  }
0x1: {  	(tag) =	ssettag $0x0;
	lr =	simm.s32 $0x1  }
0x2: {  	[smem:$0x3F96] =	sst lr;
	_ =	strace $0xD0000000  }
0x3: {  	_ = 	snop  }
0x4: {  	_ = 	snop  }
0x5: {  	_ = 	snop  }
0x6: {  	_ = 	snop  }
0x7: {  	_ = 	snop  }
__scs_overlays_trampoline_lowered:
0x8: {  	[smem:$0x3FA5] =	sst s0  }
0x9: {  	[smem:$0x3FA6] =	sst s1  }
0xa: {  	[smem:$0x3FA7] =	sst s2  }
0xb: {  	[smem:$0x3FA8] =	sst s3  }
0xc: {  	[smem:$0x3FA9] =	sst s4  }
0xd: {  	[smem:$0x3FAA] =	sst s5  }
0xe: {  	[smem:$0x3FAB] =	sst s6  }
0xf: {  	[smem:$0x3FAC] =	sst s7  }
0x10: {  	[smem:$0x3FAD] =	sst s8  }
0x11: {  	[smem:$0x3FAE] =	sst s9;
	s0 =	simm.s32 @!p0 $0x0  }
0x12: {  	s1 =	sld [smem:$0x3F94];
	s0 =	simm.s32 @p0 $0x1  }
0x13: {  	[smem:$0x3FAF] =	sst s0;
	s0 =	simm.s32 @!p1 $0x0  }
0x14: {  	s2 =	sld [smem:$0x3F93];
	s0 =	simm.s32 @p1 $0x1  }
0x15: {  	[smem:$0x3FB0] =	sst s0;
	s0 =	simm.s32 @!p2 $0x0  }
0x16: {  	s3 =	sld [smem:$0x3FDB];
	s0 =	simm.s32 @p2 $0x1  }
0x17: {  	s4 =	simm.s32 $0x1BF5;
	[smem:$0x3FB2] =	sst s0  }
0x18: {  	s0 =	sld [smem:$0x3F95];
	_ =	swait.ge [sflag:s4], $0x0  }
0x19: {  	s7 =	sld [smem:$0x3F96]  }
0x1a: {  	s8 =	sadd.s32 $0xFFFFE003, lr  }
0x1b: {  	s9 =	sadd.s32 $0xFFFFFEF7, lr;
	s5 =	simm.s32 $0xFFFFFFFF;
	p2 =	slt.u32 s8, $0xFFFFF086  }
0x1c: {  	p1 =	slt.u32 s9, $0xF7A;
	s5 =	simm.s32 @!p2 $0x0  }
0x1d: {  	s5 =	simm.s32 @p1 $0x1;
	p0 =	seq.s32 s7, s2  }
0x1e: {  	s7 =	smul.u32 @!p0 $0xF7A, s2;
	p2 =	seq.s32 @!p0 s5, $0x0  }
0x1f: {  	s9 =	smul.u32 $0xF7A, s1;
	s8 =	simm.s32 @!p0 $0x1BF5;
	p2 =	por !p2, p0  }
0x20: {  	[sflag:s8] =	ssyncset.s32 @!p0 $0xFFFFF086;
	s6 =	sadd.s32 @!p0 s3, s7;
	s7 =	simm.s32 @!p0 $0x108  }
0x21: {  	s3 =	sadd.s32 s3, s9;
	s6 =	sadd.s32 @!p0 $0x88, s6;
	s7 =	simm.s32 @p2 $0x1082  }
0x22: {  	[simem:s7], [sflag:s8] =	dma.local @!p0 [hbm:s6], $0xF7A  }
0x23: {  	s9 =	sor.u32 $0xD0000000, s2;
	s6 =	simm.s32 $0x108;
	_ =	swait.ge @!p0 [sflag:s8], $0x0  }
0x24: {  	s3 =	sadd.s32 $0x88, s3;
	s6 =	simm.s32 @!p1 $0x1082;
	[sflag:s4] =	ssyncset.s32 $0xFFFFF086  }
0x25: {  	[simem:s6], [sflag:s4] =	dma.local [hbm:s3], $0xF7A  }
0x26: {  	[smem:$0x3F96] =	sst s1;
	(tag) =	ssettag s2;
	_ =	strace s9  }
0x27: {  	s1 =	sld [smem:$0x3FA6]  }
0x28: {  	s2 =	sld [smem:$0x3FA7]  }
0x29: {  	s4 =	sld [smem:$0x3FA9]  }
0x2a: {  	p0 =	seq.s32 s5, $0x0;
	s5 =	sld [smem:$0x3FAA]  }
0x2b: {  	s6 =	sld [smem:$0x3FAB]  }
0x2c: {  	s7 =	sld [smem:$0x3FAC]  }
0x2d: {  	s3 =	simm.s32 $0x108;
	s8 =	sld [smem:$0x3FAD]  }
0x2e: {  	s3 =	simm.s32 @!p0 $0x1082;
	s9 =	sld [smem:$0x3FAE]  }
0x2f: {  	lr =	sadd.s32 s0, s3;
	s0 =	sld [smem:$0x3FA5]  }
0x30: {  	s3 =	sld [smem:$0x3FA8]  }
0x31: {  	[smem:$0x3FB1] =	sst s10  }
0x32: {  	s10 =	sld [smem:$0x3FAF];
	_ =	sdelay $0x3  }
0x33: {  	p0 =	seq.s32 s10, $0x1;
	s10 =	sld [smem:$0x3FB1];
	_ =	sdelay $0x3  }
0x34: {  	[smem:$0x3FB1] =	sst s10  }
0x35: {  	s10 =	sld [smem:$0x3FB0];
	_ =	sdelay $0x3  }
0x36: {  	p1 =	seq.s32 s10, $0x1;
	s10 =	sld [smem:$0x3FB1];
	_ =	sdelay $0x3  }
0x37: {  	[smem:$0x3FB1] =	sst s10  }
0x38: {  	s10 =	sld [smem:$0x3FB2]  }
0x39: {  	_ = 	snop;
	(pc) =	sbr.ind lr, $3  }
0x3a: {  	_ = 	snop  }
0x3b: {  	_ = 	snop  }
0x3c: {  	p2 =	seq.s32 s10, $0x1;
	s10 =	sld [smem:$0x3FB1]  }
0x3d: {  	_ =	shalt  }
0x3e: {  	_ =	shalt  }
0x3f: {  	_ =	shalt  }
0x40: {  	_ =	shalt  }
0x41: {  	_ =	shalt  }
0x42: {  	_ =	shalt  }
0x43: {  	_ =	shalt  }
0x44: {  	_ =	shalt  }
0x45: {  	_ =	shalt  }
0x46: {  	_ =	shalt  }
0x47: {  	_ =	shalt  }
0x48: {  	_ =	shalt  }
0x49: {  	_ =	shalt  }
0x4a: {  	_ =	shalt  }
0x4b: {  	_ =	shalt  }
0x4c: {  	_ =	shalt  }
0x4d: {  	_ =	shalt  }
0x4e: {  	_ =	shalt  }
0x4f: {  	_ =	shalt  }
0x50: {  	_ =	shalt  }
0x51: {  	_ =	shalt  }
0x52: {  	_ =	shalt  }
0x53: {  	_ =	shalt  }
0x54: {  	_ =	shalt  }
0x55: {  	_ =	shalt  }
0x56: {  	_ =	shalt  }
0x57: {  	_ =	shalt  }
0x58: {  	_ =	shalt  }
0x59: {  	_ =	shalt  }
0x5a: {  	_ =	shalt  }
0x5b: {  	_ =	shalt  }
0x5c: {  	_ =	shalt  }
0x5d: {  	_ =	shalt  }
0x5e: {  	_ =	shalt  }
0x5f: {  	_ =	shalt  }
0x60: {  	_ =	shalt  }
0x61: {  	_ =	shalt  }
0x62: {  	_ =	shalt  }
0x63: {  	_ =	shalt  }
0x64: {  	_ =	shalt  }
0x65: {  	_ =	shalt  }
0x66: {  	_ =	shalt  }
0x67: {  	_ =	shalt  }
0x68: {  	_ =	shalt  }
0x69: {  	_ =	shalt  }
0x6a: {  	_ =	shalt  }
0x6b: {  	_ =	shalt  }
0x6c: {  	_ =	shalt  }
0x6d: {  	_ =	shalt  }
0x6e: {  	_ =	shalt  }
0x6f: {  	_ =	shalt  }
0x70: {  	_ =	shalt  }
0x71: {  	_ =	shalt  }
0x72: {  	_ =	shalt  }
0x73: {  	_ =	shalt  }
0x74: {  	_ =	shalt  }
0x75: {  	_ =	shalt  }
0x76: {  	_ =	shalt  }
0x77: {  	_ =	shalt  }
0x78: {  	_ =	shalt  }
0x79: {  	_ =	shalt  }
0x7a: {  	_ =	shalt  }
0x7b: {  	_ =	shalt  }
0x7c: {  	_ =	shalt  }
0x7d: {  	_ =	shalt  }
0x7e: {  	_ =	shalt  }
0x7f: {  	_ =	shalt  }
0x80: {  	_ =	shalt  }
0x81: {  	_ =	shalt  }
0x82: {  	_ =	shalt  }
0x83: {  	_ =	shalt  }
0x84: {  	_ =	shalt  }
0x85: {  	_ =	shalt  }
0x86: {  	_ =	shalt  }
0x87: {  	_ =	shalt  }
.Lfunc_end0:
.L_simem_size_0:
called_computation_lowered:
.L_overlay_start_0:
0x88: {  	s2 =	sld [smem:$0x3FD9]  }
0x89: {  	s3 =	sld [smem:$0x3FFE];
	_ =	sdelay $0x1  }
0x8a: {  	s1 =	srdreg.scid  }
0x8b: {  	s0 =	sand.u32 $0x1, s1  }
0x8c: {  	s16 =	sshll.u32 s0, $0xA;
	s2 =	sadd.s32 s3, s2  }
0x8d: {  	s2 =	sadd.s32 s2, s16  }
0x8e: {  	[smem:$0x3FBD] =	sst s2  }
0x8f: {  	_ = 	snop  }
0x90: {  	(tm) =	ssettm $0x1  }
0x91: {  	s17 =	sld [smem:$0x3FFB];
	_ =	sdelay $0x3  }
0x92: {  	_ =	strace s17  }
0x93: {  	s2 =	sld [smem:$0x3FFC];
	_ =	sdelay $0x3  }
0x94: {  	_ =	strace s2  }
0x95: {  	s2 =	sld [smem:$0x3FFD];
	_ =	sdelay $0x3  }
0x96: {  	_ =	strace s2  }
0x97: {  	_ =	strace $0x8FFFFFFF  }
0x98: {  	s18 =	sld [smem:$0x3FDB];
	_ =	sdelay $0x1  }
0x99: {  	s19 =	simm.s32 $_scs_section_size  }
0x9a: {  	s4 =	simm.s32 $_size__tile_overlayer_lowered;
	s5 =	simm.s32 $_tile_overlayer_lowered  }
0x9b: {  	s22 =	simm.s32 $0x1BFF;
	s21 =	sshll.u32 s5, $0x1;
	s2 =	sadd.s32 s19, s18  }
0x9c: {  	s6 =	simm.s32 $0x0;
	s20 =	sshll.u32 s4, $0x1;
	s4 =	sadd.s32 s21, s2  }
0x9d: {  	[timem:s6], [sflag:s22] =	dma.local [hbm:s4], s20  }
0x9e: {  	_ =	swait.ge [sflag:s22], s20  }
0x9f: {  	s3 =	ssub.s32 $0x0, s20;
	[sflag:s22] =	ssyncset.done $0x0  }
0xa0: {  	[sflag:s22] =	ssyncadd.s32 s3;
	_ =	sdelay $0x1  }
0xa1: {  	s23 =	simm.s32 $0x1B8B  }
0xa2: {  	_ =	swait.ge [sflag:s23], $0x1  }
0xa3: {  	[sflag:s23] =	ssyncset.done $0x0  }
0xa4: {  	s25 =	simm.s32 $0x1B8E;
	s24 =	sld [smem:$0x3FFE];
	[sflag:s23] =	ssyncadd.s32 $0xFFFFFFFF  }
0xa5: {  	s26 =	simm.s32 $execute0_lowered;
	[smem:$0x3FD2] =	sst s25  }
0xa6: {  	s4 =	sshll.u32 s26, $0x1;
	_ =	strace $0x80000046;
	[dreg:$0x1] =	wrdreg $0xFFFFFFFF  }
0xa7: {  	s28 =	simm.s32 $_size_execute0_lowered;
	s2 =	sadd.s32 s2, s4;
	[dreg:$0x0] =	wrdreg $0x0  }
0xa8: {  	s4 =	sshll.u32 s28, $0x1;
	[dreg:$0x2] =	wrdreg s2  }
0xa9: {  	[dreg:$0x3] =	wrdreg s4  }
0xaa: {  	[dreg:$0x4] =	wrdreg $0xC0  }
0xab: {  	_ =	task [dreg:s6], $0x5FFFF  }
0xac: {  	[dreg:$0x1] =	wrdreg $0xFFFFFFFF  }
0xad: {  	[dreg:$0x0] =	wrdreg $0x60  }
0xae: {  	[dreg:$0x2] =	wrdreg s24  }
0xaf: {  	[dreg:$0x3] =	wrdreg $0x9  }
0xb0: {  	_ =	task.clear_ibuf [dreg:s6], $0x4FFFF;
	_ =	strace $0x90000046  }
0xb1: {  	s29 =	simm.s32 $0x9;
	_ =	strace $0x80000048  }
0xb2: {  	_ =	swait.ge [sflag:s29], $0x1  }
0xb3: {  	[sflag:s29] =	ssyncadd.s32 $0xFFFFFFFF  }
0xb4: {  	_ =	strace $0x90000048  }
0xb5: {  	_ =	sfence  }
0xb6: {  	s30 =	sld [smem:$0x0];
	_ =	sdelay $0x2  }
0xb7: {  	s31 =	sshll.u32 s1, $0xD;
	s1 =	sshrl.u32 s1, $0x2  }
0xb8: {  	s3 =	sand.u32 $0x4000, s31;
	s1 =	sadd.s32 s1, s30  }
0xb9: {  	s0 =	sor.u32 s3, s0;
	s1 =	sshll.u32 s1, $0x11  }
0xba: {  	s0 =	sor.u32 s1, s0  }
0xbb: {  	s0 =	sadd.s32 $0x8F2B, s0  }
0xbc: {  	[sflag:s0] =	ssyncadd.remote.s32 $0x1  }
0xbd: {  	_ =	sfence.sel $0xFFFF  }
0xbe: {  	[dreg:$0x0] =	wrdreg $0xFFFFFFFF;
	(pc) =	sbr.abs _section_cstart, $3  }
0xbf: {  	[dreg:$0x1] =	wrdreg $0xFFFFFFFF  }
0xc0: {  	_ =	task.clear_ibuf [dreg:s6], $0x2FFFF;
	_ =	strace $0x9FFFFFFF  }
0xc1: {  	(tm) =	ssettm $0x7FFFFFFF  }
tec
execute0_lowered:
.L_overlay_start_1:
0x0: {  	(tag) =	ssettag $0x1  }
0x1: {  	s4 =	rddreg [dreg:$0x0]  }
0x2: {  	s0 =	rddreg [dreg:$0x1];
	s2 =	simm.s32 $0x0;
	s1 =	stileid.u32  }
0x3: {  	s3 =	srdreg.scid;
	s10 =	simm.s32 $0x0;
	s6 =	smul.u32 $0x1400, s1  }
0x4: {  	[smem:$0x7FF] =	sst s2;
	s5 =	sand.u32 $0x1, s3;
	s8 =	smul.u32 $0x14000, s1  }
0x5: {  	s3 =	sadd.s32 $0x5A00, s4;
	s7 =	smul.u32 $0xA00, s5;
	s9 =	ssub.s32 $0x2, s5  }
0x6: {  	_ =	strace $0x80000047;
	s5 =	smul.u32 $0xA000, s5;
	s31 =	sshrl.u32 s9, $0x1  }
0x7: {  	s8 =	sadd.s32 s8, s4;
	s6 =	sadd.s32 s7, s6;
	s7 =	ssub.s32 s9, s31  }
0x8: {  	s5 =	sadd.s32 s5, s8;
	s8 =	simm.s32 $0x80;
	s6 =	sshrl.u32 s6, $0x3  }
0x9: {  	s9 =	simm.s32 $0x1;
	s5 =	sadd.s32 $0x55A00, s5;
	s6 =	sadd.s32 s6, s4  }
0xa: {  	s4 =	smax.u32 s7, $0x1;
	s7 =	simm.s32 $0x2;
	s6 =	sadd.s32 $0x3200, s6  }
.LBB2_1:
0xb: {  	s11 =	sadd.s32 $0x0, s6  }
0xc: {  	[tilespmem:s2], [sflag:$0x2] =	stream.linear.gather [hbm4b:s11+s2], $0x80, $0x38;
	[tilespmem:$0x4080] =	vst v63  }
0xd: {  	_ =	swait.ge [sflag:s7], $0x80  }
0xe: {  	[sflag:s7] =	ssyncset.done $0x0  }
0xf: {  	[sflag:s7] =	ssyncadd.s32 $0xFFFFFF80  }
0x10: {  	[tilespmem:s8], [sflag:$0x1] =	stream.indirect.gather [hbm4b:s3+s8], $0x80, s2, s8, $0xb8;
	[tilespmem:$0x4080] =	vst v63  }
0x11: {  	_ =	swait.ge [sflag:s9], $0x4000  }
0x12: {  	[sflag:s9] =	ssyncset.done $0x0  }
0x13: {  	[sflag:s9] =	ssyncadd.s32 $0xFFFFC000  }
0x14: {  	[hbm4b:s5+s2] =	stream.linear.scatter [tilespmem:s8], [sflag:$0x2], $0x4000, $0x38;
	[tilespmem:$0x4080] =	vst v63  }
0x15: {  	s12 =	simm.s32 $0x10;
	_ =	swait.ge [sflag:s7], $0x4000  }
0x16: {  	s13 =	simm.s32 $0x20;
	s11 =	sadd.s32 $0x800, s5;
	[sflag:s7] =	ssyncset.done $0x0  }
.LBB2_2:
0x17: {  	s14 =	sadd.s32 s12, s6  }
0x18: {  	[sflag:s7] =	ssyncadd.s32 $0xFFFFC000;
	s12 =	smov.u32 s13;
	s15 =	sadd.s32 $0x10, s13  }
0x19: {  	[tilespmem:s2], [sflag:$0x2] =	stream.linear.gather [hbm4b:s14+s2], $0x80, $0x38;
	[tilespmem:$0x4080] =	vst v63  }
0x1a: {  	p0 =	sne.s32 s13, $0x130;
	_ =	swait.ge [sflag:s7], $0x80  }
0x1b: {  	[sflag:s7] =	ssyncset.done $0x0  }
0x1c: {  	[sflag:s7] =	ssyncadd.s32 $0xFFFFFF80  }
0x1d: {  	[tilespmem:s8], [sflag:$0x1] =	stream.indirect.gather [hbm4b:s3+s8], $0x80, s2, s8, $0xb8;
	[tilespmem:$0x4080] =	vst v63  }
0x1e: {  	_ =	swait.ge [sflag:s9], $0x4000  }
.Ltmp0:
0x1f: {  	[sflag:s9] =	ssyncset.done $0x0;
	(pc) =	sbr.rel @p0 .LBB2_2-.Ltmp0, $4  }
0x20: {  	[sflag:s9] =	ssyncadd.s32 $0xFFFFC000  }
0x21: {  	[hbm4b:s11+s2] =	stream.linear.scatter [tilespmem:s8], [sflag:$0x2], $0x4000, $0x38;
	[tilespmem:$0x4080] =	vst v63  }
0x22: {  	_ =	swait.ge [sflag:s7], $0x4000  }
0x23: {  	s13 =	smov.u32 s15;
	s11 =	sadd.s32 $0x800, s11;
	[sflag:s7] =	ssyncset.done $0x0  }
0x24: {  	s12 =	sadd.s32 s12, s6;
	[sflag:s7] =	ssyncadd.s32 $0xFFFFC000  }
0x25: {  	[tilespmem:s2], [sflag:$0x2] =	stream.linear.gather [hbm4b:s12+s2], $0x80, $0x38;
	[tilespmem:$0x4080] =	vst v63  }
0x26: {  	_ =	swait.ge [sflag:s7], $0x80  }
0x27: {  	[sflag:s7] =	ssyncset.done $0x0  }
0x28: {  	[sflag:s7] =	ssyncadd.s32 $0xFFFFFF80  }
0x29: {  	[tilespmem:s8], [sflag:$0x1] =	stream.indirect.gather [hbm4b:s3+s8], $0x80, s2, s8, $0xb8;
	[tilespmem:$0x4080] =	vst v63  }
0x2a: {  	s10 =	sadd.s32 $0x1, s10;
	_ =	swait.ge [sflag:s9], $0x4000  }
0x2b: {  	p0 =	sne.s32 s10, s4;
	[sflag:s9] =	ssyncset.done $0x0  }
.Ltmp1:
0x2c: {  	[sflag:s9] =	ssyncadd.s32 $0xFFFFC000;
	(pc) =	sbr.rel @p0 .LBB2_1-.Ltmp1, $4  }
0x2d: {  	[hbm4b:s11+s2] =	stream.linear.scatter [tilespmem:s8], [sflag:$0x2], $0x4000, $0x38;
	[tilespmem:$0x4080] =	vst v63  }
0x2e: {  	_ =	swait.ge [sflag:s7], $0x4000  }
0x2f: {  	[sflag:s7] =	ssyncset.done $0x0  }
0x30: {  	[sflag:s7] =	ssyncadd.s32 $0xFFFFC000  }
0x31: {  	_ =	sfence.sel $0x180000  }
0x32: {  	[bflag:$0x0] =	sbarrier.arrive $0xFFFF  }
0x33: {  	p0 =	sne.s32 s1, $0x0;
	_ =	strace $0x90000047  }
0x34: {  	s0 =	sadd.s32 @!p0 $0x100000, s0;
	[bflag:$0x2] =	sbarrier.arrive $0xFFFF  }
0x35: {  	[sflag:s0] =	ssyncadd.tile.s32 @!p0 $0x1;
	_ =	shalt  }
.Lfunc_end2:
_tile_overlayer_lowered:
.L_overlay_start_2:
0x36: {  	(tag) =	ssettag $0x2  }
0x37: {  	s0 =	rddreg [dreg:$0x0];
	s2 =	stileid.u32  }
0x38: {  	s1 =	rddreg [dreg:$0x1];
	p0 =	sne.s32 s2, $0x0  }
0x39: {  	s3 =	rddreg [dreg:$0x2];
	[bflag:$0x3] =	sbarrier.arrive $0xFFFF;
	s2 =	simm.s32 @!p0 $0x1C02  }
0x3a: {  	[timem:s3], [sflag:s2] =	dma.local @!p0 [hbm:s0], s1  }
0x3b: {  	s0 =	simm.s32 @!p0 $0x2  }
0x3c: {  	_ =	swait.ge @!p0 [sflag:s0], s1  }
0x3d: {  	s1 =	ssub.s32 @!p0 $0x0, s1;
	[sflag:s0] =	ssyncset.done @!p0 $0x0  }
0x3e: {  	[sflag:s0] =	ssyncadd.s32 @!p0 s1  }
0x3f: {  	[bflag:$0x3] =	sbarrier.arrive $0xFFFF  }
0x40: {  	_ =	shalt  }

// kernel: kernel.13.cloned.1.call-start
scs
__scs_entry_jumppad:
0x0: {  	(pc) =	sbr.rel $0x88, $3  }
0x1: {  	(tag) =	ssettag $0x0;
	lr =	simm.s32 $0x1  }
0x2: {  	[smem:$0x3F96] =	sst lr;
	_ =	strace $0xD0000000  }
0x3: {  	_ = 	snop  }
0x4: {  	_ = 	snop  }
0x5: {  	_ = 	snop  }
0x6: {  	_ = 	snop  }
0x7: {  	_ = 	snop  }
__scs_overlays_trampoline_lowered:
0x8: {  	[smem:$0x3FA5] =	sst s0  }
0x9: {  	[smem:$0x3FA6] =	sst s1  }
0xa: {  	[smem:$0x3FA7] =	sst s2  }
0xb: {  	[smem:$0x3FA8] =	sst s3  }
0xc: {  	[smem:$0x3FA9] =	sst s4  }
0xd: {  	[smem:$0x3FAA] =	sst s5  }
0xe: {  	[smem:$0x3FAB] =	sst s6  }
0xf: {  	[smem:$0x3FAC] =	sst s7  }
0x10: {  	[smem:$0x3FAD] =	sst s8  }
0x11: {  	[smem:$0x3FAE] =	sst s9;
	s0 =	simm.s32 @!p0 $0x0  }
0x12: {  	s1 =	sld [smem:$0x3F94];
	s0 =	simm.s32 @p0 $0x1  }
0x13: {  	[smem:$0x3FAF] =	sst s0;
	s0 =	simm.s32 @!p1 $0x0  }
0x14: {  	s2 =	sld [smem:$0x3F93];
	s0 =	simm.s32 @p1 $0x1  }
0x15: {  	[smem:$0x3FB0] =	sst s0;
	s0 =	simm.s32 @!p2 $0x0  }
0x16: {  	s3 =	sld [smem:$0x3FDB];
	s0 =	simm.s32 @p2 $0x1  }
0x17: {  	s4 =	simm.s32 $0x1BF5;
	[smem:$0x3FB2] =	sst s0  }
0x18: {  	s0 =	sld [smem:$0x3F95];
	_ =	swait.ge [sflag:s4], $0x0  }
0x19: {  	s7 =	sld [smem:$0x3F96]  }
0x1a: {  	s8 =	sadd.s32 $0xFFFFE003, lr  }
0x1b: {  	s9 =	sadd.s32 $0xFFFFFEF7, lr;
	s5 =	simm.s32 $0xFFFFFFFF;
	p2 =	slt.u32 s8, $0xFFFFF086  }
0x1c: {  	p1 =	slt.u32 s9, $0xF7A;
	s5 =	simm.s32 @!p2 $0x0  }
0x1d: {  	s5 =	simm.s32 @p1 $0x1;
	p0 =	seq.s32 s7, s2  }
0x1e: {  	s7 =	smul.u32 @!p0 $0xF7A, s2;
	p2 =	seq.s32 @!p0 s5, $0x0  }
0x1f: {  	s9 =	smul.u32 $0xF7A, s1;
	s8 =	simm.s32 @!p0 $0x1BF5;
	p2 =	por !p2, p0  }
0x20: {  	[sflag:s8] =	ssyncset.s32 @!p0 $0xFFFFF086;
	s6 =	sadd.s32 @!p0 s3, s7;
	s7 =	simm.s32 @!p0 $0x108  }
0x21: {  	s3 =	sadd.s32 s3, s9;
	s6 =	sadd.s32 @!p0 $0x88, s6;
	s7 =	simm.s32 @p2 $0x1082  }
0x22: {  	[simem:s7], [sflag:s8] =	dma.local @!p0 [hbm:s6], $0xF7A  }
0x23: {  	s9 =	sor.u32 $0xD0000000, s2;
	s6 =	simm.s32 $0x108;
	_ =	swait.ge @!p0 [sflag:s8], $0x0  }
0x24: {  	s3 =	sadd.s32 $0x88, s3;
	s6 =	simm.s32 @!p1 $0x1082;
	[sflag:s4] =	ssyncset.s32 $0xFFFFF086  }
0x25: {  	[simem:s6], [sflag:s4] =	dma.local [hbm:s3], $0xF7A  }
0x26: {  	[smem:$0x3F96] =	sst s1;
	(tag) =	ssettag s2;
	_ =	strace s9  }
0x27: {  	s1 =	sld [smem:$0x3FA6]  }
0x28: {  	s2 =	sld [smem:$0x3FA7]  }
0x29: {  	s4 =	sld [smem:$0x3FA9]  }
0x2a: {  	p0 =	seq.s32 s5, $0x0;
	s5 =	sld [smem:$0x3FAA]  }
0x2b: {  	s6 =	sld [smem:$0x3FAB]  }
0x2c: {  	s7 =	sld [smem:$0x3FAC]  }
0x2d: {  	s3 =	simm.s32 $0x108;
	s8 =	sld [smem:$0x3FAD]  }
0x2e: {  	s3 =	simm.s32 @!p0 $0x1082;
	s9 =	sld [smem:$0x3FAE]  }
0x2f: {  	lr =	sadd.s32 s0, s3;
	s0 =	sld [smem:$0x3FA5]  }
0x30: {  	s3 =	sld [smem:$0x3FA8]  }
0x31: {  	[smem:$0x3FB1] =	sst s10  }
0x32: {  	s10 =	sld [smem:$0x3FAF];
	_ =	sdelay $0x3  }
0x33: {  	p0 =	seq.s32 s10, $0x1;
	s10 =	sld [smem:$0x3FB1];
	_ =	sdelay $0x3  }
0x34: {  	[smem:$0x3FB1] =	sst s10  }
0x35: {  	s10 =	sld [smem:$0x3FB0];
	_ =	sdelay $0x3  }
0x36: {  	p1 =	seq.s32 s10, $0x1;
	s10 =	sld [smem:$0x3FB1];
	_ =	sdelay $0x3  }
0x37: {  	[smem:$0x3FB1] =	sst s10  }
0x38: {  	s10 =	sld [smem:$0x3FB2]  }
0x39: {  	_ = 	snop;
	(pc) =	sbr.ind lr, $3  }
0x3a: {  	_ = 	snop  }
0x3b: {  	_ = 	snop  }
0x3c: {  	p2 =	seq.s32 s10, $0x1;
	s10 =	sld [smem:$0x3FB1]  }
0x3d: {  	_ =	shalt  }
0x3e: {  	_ =	shalt  }
0x3f: {  	_ =	shalt  }
0x40: {  	_ =	shalt  }
0x41: {  	_ =	shalt  }
0x42: {  	_ =	shalt  }
0x43: {  	_ =	shalt  }
0x44: {  	_ =	shalt  }
0x45: {  	_ =	shalt  }
0x46: {  	_ =	shalt  }
0x47: {  	_ =	shalt  }
0x48: {  	_ =	shalt  }
0x49: {  	_ =	shalt  }
0x4a: {  	_ =	shalt  }
0x4b: {  	_ =	shalt  }
0x4c: {  	_ =	shalt  }
0x4d: {  	_ =	shalt  }
0x4e: {  	_ =	shalt  }
0x4f: {  	_ =	shalt  }
0x50: {  	_ =	shalt  }
0x51: {  	_ =	shalt  }
0x52: {  	_ =	shalt  }
0x53: {  	_ =	shalt  }
0x54: {  	_ =	shalt  }
0x55: {  	_ =	shalt  }
0x56: {  	_ =	shalt  }
0x57: {  	_ =	shalt  }
0x58: {  	_ =	shalt  }
0x59: {  	_ =	shalt  }
0x5a: {  	_ =	shalt  }
0x5b: {  	_ =	shalt  }
0x5c: {  	_ =	shalt  }
0x5d: {  	_ =	shalt  }
0x5e: {  	_ =	shalt  }
0x5f: {  	_ =	shalt  }
0x60: {  	_ =	shalt  }
0x61: {  	_ =	shalt  }
0x62: {  	_ =	shalt  }
0x63: {  	_ =	shalt  }
0x64: {  	_ =	shalt  }
0x65: {  	_ =	shalt  }
0x66: {  	_ =	shalt  }
0x67: {  	_ =	shalt  }
0x68: {  	_ =	shalt  }
0x69: {  	_ =	shalt  }
0x6a: {  	_ =	shalt  }
0x6b: {  	_ =	shalt  }
0x6c: {  	_ =	shalt  }
0x6d: {  	_ =	shalt  }
0x6e: {  	_ =	shalt  }
0x6f: {  	_ =	shalt  }
0x70: {  	_ =	shalt  }
0x71: {  	_ =	shalt  }
0x72: {  	_ =	shalt  }
0x73: {  	_ =	shalt  }
0x74: {  	_ =	shalt  }
0x75: {  	_ =	shalt  }
0x76: {  	_ =	shalt  }
0x77: {  	_ =	shalt  }
0x78: {  	_ =	shalt  }
0x79: {  	_ =	shalt  }
0x7a: {  	_ =	shalt  }
0x7b: {  	_ =	shalt  }
0x7c: {  	_ =	shalt  }
0x7d: {  	_ =	shalt  }
0x7e: {  	_ =	shalt  }
0x7f: {  	_ =	shalt  }
0x80: {  	_ =	shalt  }
0x81: {  	_ =	shalt  }
0x82: {  	_ =	shalt  }
0x83: {  	_ =	shalt  }
0x84: {  	_ =	shalt  }
0x85: {  	_ =	shalt  }
0x86: {  	_ =	shalt  }
0x87: {  	_ =	shalt  }
.Lfunc_end0:
.L_simem_size_0:
called_computation.1_lowered:
.L_overlay_start_0:
0x88: {  	s2 =	sld [smem:$0x3FD9]  }
0x89: {  	s3 =	sld [smem:$0x3FFE];
	_ =	sdelay $0x1  }
0x8a: {  	s1 =	srdreg.scid  }
0x8b: {  	s0 =	sand.u32 $0x1, s1  }
0x8c: {  	s17 =	sshll.u32 s0, $0xA;
	s2 =	sadd.s32 s3, s2  }
0x8d: {  	s2 =	sadd.s32 s2, s17  }
0x8e: {  	[smem:$0x3FBD] =	sst s2  }
0x8f: {  	_ = 	snop  }
0x90: {  	(tm) =	ssettm $0x1  }
0x91: {  	s18 =	sld [smem:$0x3FFB];
	_ =	sdelay $0x3  }
0x92: {  	_ =	strace s18  }
0x93: {  	s2 =	sld [smem:$0x3FFC];
	_ =	sdelay $0x3  }
0x94: {  	_ =	strace s2  }
0x95: {  	s2 =	sld [smem:$0x3FFD];
	_ =	sdelay $0x3  }
0x96: {  	_ =	strace s2  }
0x97: {  	_ =	strace $0x8FFFFFFF  }
0x98: {  	s19 =	sld [smem:$0x3FDB];
	_ =	sdelay $0x1  }
0x99: {  	s20 =	simm.s32 $_scs_section_size  }
0x9a: {  	s4 =	simm.s32 $_size__tile_overlayer_lowered;
	s5 =	simm.s32 $_tile_overlayer_lowered  }
0x9b: {  	s6 =	simm.s32 $0x1BFF;
	s21 =	sshll.u32 s5, $0x1;
	s3 =	sadd.s32 s20, s19  }
0x9c: {  	s22 =	simm.s32 $0x0;
	s4 =	sshll.u32 s4, $0x1;
	s5 =	sadd.s32 s21, s3  }
0x9d: {  	[timem:s22], [sflag:s6] =	dma.local [hbm:s5], s4  }
0x9e: {  	_ =	swait.ge [sflag:s6], s4  }
0x9f: {  	s4 =	ssub.s32 $0x0, s4;
	[sflag:s6] =	ssyncset.done $0x0  }
0xa0: {  	[sflag:s6] =	ssyncadd.s32 s4;
	_ =	sdelay $0x1  }
0xa1: {  	s23 =	simm.s32 $0x1B8B  }
0xa2: {  	_ =	swait.ge [sflag:s23], $0x1  }
0xa3: {  	[sflag:s23] =	ssyncset.done $0x0  }
0xa4: {  	[sflag:s23] =	ssyncadd.s32 $0xFFFFFFFF  }
0xa5: {  	s4 =	sld [smem:$0x0]  }
0xa6: {  	s5 =	sand.u32 $0xFFFFFFFE, s1  }
0xa7: {  	p0 =	sne.s32 s1, s5  }
0xa8: {  	s5 =	sshll.u32 @p0 s5, $0xE  }
0xa9: {  	s5 =	sadd.s32 @p0 $0x11B8D, s5;
	s6 =	sshll.u32 @p0 s4, $0x11  }
0xaa: {  	s5 =	sor.u32 @p0 s6, s5  }
0xab: {  	[sflag:s5] =	ssyncadd.remote.s32 @p0 $0x1;
	_ =	sdelay $0x1  }
0xac: {  	s5 =	simm.s32 @p0 $0x1B8D  }
0xad: {  	_ =	swait.eq @p0 [sflag:s5], $0x1  }
0xae: {  	[sflag:s5] =	ssyncadd.s32 @p0 $0xFFFFFFFF  }
0xaf: {  	s6 =	sshll.u32 @!p0 s1, $0xE  }
0xb0: {  	s6 =	sor.u32 @!p0 $0x4000, s6;
	s5 =	simm.s32 @!p0 $0x1B8D  }
0xb1: {  	s4 =	sshll.u32 @!p0 s4, $0x11;
	s6 =	sadd.s32 @!p0 $0x11B8D, s6;
	_ =	swait.eq @!p0 [sflag:s5], $0x1  }
0xb2: {  	s4 =	sor.u32 @!p0 s4, s6;
	[sflag:s5] =	ssyncadd.s32 @!p0 $0xFFFFFFFF  }
0xb3: {  	s25 =	simm.s32 $0x1B8E;
	s24 =	sld [smem:$0x3FFE];
	[sflag:s4] =	ssyncadd.remote.s32 @!p0 $0x1  }
0xb4: {  	s26 =	simm.s32 $execute0_lowered;
	[smem:$0x3FD2] =	sst s25  }
0xb5: {  	s5 =	sshll.u32 s26, $0x1;
	_ =	strace $0x80000049;
	[dreg:$0x1] =	wrdreg $0xFFFFFFFF  }
0xb6: {  	s28 =	simm.s32 $_size_execute0_lowered;
	s3 =	sadd.s32 s3, s5;
	[dreg:$0x0] =	wrdreg $0x0  }
0xb7: {  	s5 =	sshll.u32 s28, $0x1;
	[dreg:$0x2] =	wrdreg s3  }
0xb8: {  	[dreg:$0x3] =	wrdreg s5  }
0xb9: {  	[dreg:$0x4] =	wrdreg $0xC0  }
0xba: {  	_ =	task [dreg:s22], $0x5FFFF  }
0xbb: {  	[dreg:$0x1] =	wrdreg $0xFFFFFFFF  }
0xbc: {  	[dreg:$0x0] =	wrdreg $0x60  }
0xbd: {  	[dreg:$0x2] =	wrdreg s24  }
0xbe: {  	[dreg:$0x3] =	wrdreg $0xA  }
0xbf: {  	_ =	task.clear_ibuf [dreg:s22], $0x4FFFF;
	_ =	strace $0x90000049  }
0xc0: {  	s29 =	simm.s32 $0xA;
	_ =	strace $0x8000004B  }
0xc1: {  	_ =	swait.ge [sflag:s29], $0x1  }
0xc2: {  	[sflag:s29] =	ssyncadd.s32 $0xFFFFFFFF  }
0xc3: {  	_ =	strace $0x9000004B  }
0xc4: {  	_ =	sfence  }
0xc5: {  	s30 =	sld [smem:$0x0];
	_ =	sdelay $0x2  }
0xc6: {  	s31 =	sshll.u32 s1, $0xD;
	s1 =	sshrl.u32 s1, $0x2  }
0xc7: {  	s4 =	sand.u32 $0x4000, s31;
	s1 =	sadd.s32 s1, s30  }
0xc8: {  	s0 =	sor.u32 s4, s0;
	s1 =	sshll.u32 s1, $0x11  }
0xc9: {  	s0 =	sor.u32 s1, s0  }
0xca: {  	s0 =	sadd.s32 $0x8F2B, s0  }
0xcb: {  	[sflag:s0] =	ssyncadd.remote.s32 $0x1  }
0xcc: {  	_ =	sfence.sel $0xFFFF  }
0xcd: {  	[dreg:$0x0] =	wrdreg $0xFFFFFFFF;
	(pc) =	sbr.abs _section_cstart, $3  }
0xce: {  	[dreg:$0x1] =	wrdreg $0xFFFFFFFF  }
0xcf: {  	_ =	task.clear_ibuf [dreg:s22], $0x2FFFF;
	_ =	strace $0x9FFFFFFF  }
0xd0: {  	(tm) =	ssettm $0x7FFFFFFF  }
0xd1: {  	_ =	shalt  }
tec
execute0_lowered:
.L_overlay_start_1:
0x0: {  	(tag) =	ssettag $0x1  }
0x1: {  	s4 =	rddreg [dreg:$0x0]  }
0x2: {  	s0 =	rddreg [dreg:$0x1];
	s2 =	simm.s32 $0x0;
	s1 =	stileid.u32  }
0x3: {  	s3 =	srdreg.scid;
	s10 =	simm.s32 $0x0;
	s6 =	smul.u32 $0x2800, s1  }
0x4: {  	[smem:$0x7FF] =	sst s2;
	s5 =	sand.u32 $0x1, s3;
	s8 =	smul.u32 $0x28000, s1  }
0x5: {  	s3 =	sadd.s32 $0x2DA00, s4;
	s7 =	smul.u32 $0x1400, s5;
	s9 =	ssub.s32 $0x2, s5  }
0x6: {  	_ =	strace $0x8000004A;
	s5 =	smul.u32 $0x14000, s5;
	s31 =	sshrl.u32 s9, $0x1  }
0x7: {  	s8 =	sadd.s32 s8, s4;
	s6 =	sadd.s32 s7, s6;
	s7 =	ssub.s32 s9, s31  }
0x8: {  	s5 =	sadd.s32 s5, s8;
	s8 =	simm.s32 $0x80;
	s6 =	sshrl.u32 s6, $0x3  }
0x9: {  	s9 =	simm.s32 $0x1;
	s5 =	sadd.s32 $0x19AA00, s5;
	s6 =	sadd.s32 s6, s4  }
0xa: {  	s4 =	smax.u32 s7, $0x1;
	s7 =	simm.s32 $0x2;
	s6 =	sadd.s32 $0x195A00, s6  }
.LBB2_1:
0xb: {  	s11 =	sadd.s32 $0x0, s6  }
0xc: {  	[tilespmem:s2], [sflag:$0x2] =	stream.linear.gather [hbm4b:s11+s2], $0x80, $0x38;
	[tilespmem:$0x4080] =	vst v63  }
0xd: {  	_ =	swait.ge [sflag:s7], $0x80  }
0xe: {  	[sflag:s7] =	ssyncset.done $0x0  }
0xf: {  	[sflag:s7] =	ssyncadd.s32 $0xFFFFFF80  }
0x10: {  	[tilespmem:s8], [sflag:$0x1] =	stream.indirect.gather [hbm4b:s3+s8], $0x80, s2, s8, $0xb8;
	[tilespmem:$0x4080] =	vst v63  }
0x11: {  	_ =	swait.ge [sflag:s9], $0x4000  }
0x12: {  	[sflag:s9] =	ssyncset.done $0x0  }
0x13: {  	[sflag:s9] =	ssyncadd.s32 $0xFFFFC000  }
0x14: {  	[hbm4b:s5+s2] =	stream.linear.scatter [tilespmem:s8], [sflag:$0x2], $0x4000, $0x38;
	[tilespmem:$0x4080] =	vst v63  }
0x15: {  	s12 =	simm.s32 $0x10;
	_ =	swait.ge [sflag:s7], $0x4000  }
0x16: {  	s13 =	simm.s32 $0x20;
	s11 =	sadd.s32 $0x800, s5;
	[sflag:s7] =	ssyncset.done $0x0  }
.LBB2_2:
0x17: {  	s14 =	sadd.s32 s12, s6  }
0x18: {  	[sflag:s7] =	ssyncadd.s32 $0xFFFFC000;
	s12 =	smov.u32 s13;
	s15 =	sadd.s32 $0x10, s13  }
0x19: {  	[tilespmem:s2], [sflag:$0x2] =	stream.linear.gather [hbm4b:s14+s2], $0x80, $0x38;
	[tilespmem:$0x4080] =	vst v63  }
0x1a: {  	p0 =	sne.s32 s13, $0x270;
	_ =	swait.ge [sflag:s7], $0x80  }
0x1b: {  	[sflag:s7] =	ssyncset.done $0x0  }
0x1c: {  	[sflag:s7] =	ssyncadd.s32 $0xFFFFFF80  }
0x1d: {  	[tilespmem:s8], [sflag:$0x1] =	stream.indirect.gather [hbm4b:s3+s8], $0x80, s2, s8, $0xb8;
	[tilespmem:$0x4080] =	vst v63  }
0x1e: {  	_ =	swait.ge [sflag:s9], $0x4000  }
.Ltmp0:
0x1f: {  	[sflag:s9] =	ssyncset.done $0x0;
	(pc) =	sbr.rel @p0 .LBB2_2-.Ltmp0, $4  }
0x20: {  	[sflag:s9] =	ssyncadd.s32 $0xFFFFC000  }
0x21: {  	[hbm4b:s11+s2] =	stream.linear.scatter [tilespmem:s8], [sflag:$0x2], $0x4000, $0x38;
	[tilespmem:$0x4080] =	vst v63  }
0x22: {  	_ =	swait.ge [sflag:s7], $0x4000  }
0x23: {  	s13 =	smov.u32 s15;
	s11 =	sadd.s32 $0x800, s11;
	[sflag:s7] =	ssyncset.done $0x0  }
0x24: {  	s12 =	sadd.s32 s12, s6;
	[sflag:s7] =	ssyncadd.s32 $0xFFFFC000  }
0x25: {  	[tilespmem:s2], [sflag:$0x2] =	stream.linear.gather [hbm4b:s12+s2], $0x80, $0x38;
	[tilespmem:$0x4080] =	vst v63  }
0x26: {  	_ =	swait.ge [sflag:s7], $0x80  }
0x27: {  	[sflag:s7] =	ssyncset.done $0x0  }
0x28: {  	[sflag:s7] =	ssyncadd.s32 $0xFFFFFF80  }
0x29: {  	[tilespmem:s8], [sflag:$0x1] =	stream.indirect.gather [hbm4b:s3+s8], $0x80, s2, s8, $0xb8;
	[tilespmem:$0x4080] =	vst v63  }
0x2a: {  	s10 =	sadd.s32 $0x1, s10;
	_ =	swait.ge [sflag:s9], $0x4000  }
0x2b: {  	p0 =	sne.s32 s10, s4;
	[sflag:s9] =	ssyncset.done $0x0  }
.Ltmp1:
0x2c: {  	[sflag:s9] =	ssyncadd.s32 $0xFFFFC000;
	(pc) =	sbr.rel @p0 .LBB2_1-.Ltmp1, $4  }
0x2d: {  	[hbm4b:s11+s2] =	stream.linear.scatter [tilespmem:s8], [sflag:$0x2], $0x4000, $0x38;
	[tilespmem:$0x4080] =	vst v63  }
0x2e: {  	_ =	swait.ge [sflag:s7], $0x4000  }
0x2f: {  	[sflag:s7] =	ssyncset.done $0x0  }
0x30: {  	[sflag:s7] =	ssyncadd.s32 $0xFFFFC000  }
0x31: {  	_ =	sfence.sel $0x180000  }
0x32: {  	[bflag:$0x0] =	sbarrier.arrive $0xFFFF  }
0x33: {  	p0 =	sne.s32 s1, $0x0;
	_ =	strace $0x9000004A  }
0x34: {  	s0 =	sadd.s32 @!p0 $0x100000, s0;
	[bflag:$0x2] =	sbarrier.arrive $0xFFFF  }
0x35: {  	[sflag:s0] =	ssyncadd.tile.s32 @!p0 $0x1;
	_ =	shalt  }
.Lfunc_end2:
_tile_overlayer_lowered:
.L_overlay_start_2:
0x36: {  	(tag) =	ssettag $0x2  }
0x37: {  	s0 =	rddreg [dreg:$0x0];
	s2 =	stileid.u32  }
0x38: {  	s1 =	rddreg [dreg:$0x1];
	p0 =	sne.s32 s2, $0x0  }
0x39: {  	s3 =	rddreg [dreg:$0x2];
	[bflag:$0x3] =	sbarrier.arrive $0xFFFF;
	s2 =	simm.s32 @!p0 $0x1C02  }
0x3a: {  	[timem:s3], [sflag:s2] =	dma.local @!p0 [hbm:s0], s1  }
0x3b: {  	s0 =	simm.s32 @!p0 $0x2  }
0x3c: {  	_ =	swait.ge @!p0 [sflag:s0], s1  }
0x3d: {  	s1 =	ssub.s32 @!p0 $0x0, s1;
	[sflag:s0] =	ssyncset.done @!p0 $0x0  }
0x3e: {  	[sflag:s0] =	ssyncadd.s32 @!p0 s1  }
0x3f: {  	[bflag:$0x3] =	sbarrier.arrive $0xFFFF  }
0x40: {  	_ =	shalt  }

</sc_bundles>
